<compile_context>
chip_gen: v7x
topology: tpu7x:2x2x1
jax: 0.10.2.dev20260603
libtpu: 0.0.44.dev20260713+nightly
codegen_flags: <defaults>
</compile_context>

<pallas_src>
import functools
import jax
import jax.numpy as jnp
from jax import lax
from jax.experimental import pallas as pl
from jax.experimental.pallas import tpu as pltpu
from jax.experimental.pallas import tpu_sc as plsc

N_NODES = 10000
N_EDGES = 320000
D = 128
DF = 16
CHUNK = 128
SCH = 128
N_SOPS = N_EDGES // SCH
NC = 2
NS = 16
NW = NC * NS
SOPS_BASE = N_SOPS // NW
SOPS_REM = N_SOPS % NW
N_OUTER = (SOPS_BASE + 2) // 2
STRIPE = 624
TAIL = N_NODES - STRIPE * NS


def _sc_scatter_body(edge_hbm, dest3_hbm, psums, pcnts,
                     acc_s, idx_v, rows_v, hist_v, isem0, isem1, rsem0, rsem1,
                     ssem0, ssem1):
  core = lax.axis_index("c")
  sid = lax.axis_index("s")
  wid = sid * NC + core
  isems = (isem0, isem1)
  rsems = (rsem0, rsem1)
  ssems = (ssem0, ssem1)

  zero16f = jnp.zeros((16,), jnp.float32)
  t0 = 0 * wid
  nsops = SOPS_BASE + jnp.where(wid < SOPS_REM, 1, 0)
  s0 = wid * SOPS_BASE + jnp.minimum(wid, SOPS_REM)

  def start_loads(b, j):
    s = s0 + j
    pltpu.async_copy(dest3_hbm.at[s], idx_v.at[b], isems[b])
    pltpu.async_copy(edge_hbm.at[pl.ds(s * SCH, SCH)], rows_v.at[b], rsems[b])

  start_loads(1, 1)

  def zrow(i, _):
    for j2 in range(D // 16):
      rows_v[0, i, pl.ds(j2 * 16, 16)] = zero16f
    return 0
  lax.fori_loop(t0, SCH, zrow, 0)

  def zhist(i, _):
    hist_v[pl.ds(i * 16, 16)] = zero16f
    return 0
  lax.fori_loop(t0, N_NODES // 16, zhist, 0)

  base = sid * STRIPE

  def zblk(i, _):
    pltpu.sync_copy(rows_v.at[0], acc_s.at[pl.ds(base + i * SCH, SCH)])
    return 0
  lax.fori_loop(t0, STRIPE // SCH, zblk, 0)
  pltpu.sync_copy(rows_v.at[0, pl.ds(0, STRIPE - (STRIPE // SCH) * SCH)],
                  acc_s.at[pl.ds(base + (STRIPE // SCH) * SCH,
                                 STRIPE - (STRIPE // SCH) * SCH)])

  @pl.when(sid == NS - 1)
  def _zero_tail():
    pltpu.sync_copy(rows_v.at[0, pl.ds(0, TAIL)],
                    acc_s.at[pl.ds(STRIPE * NS, TAIL)])

  start_loads(0, 0)
  plsc.subcore_barrier()

  ones16 = jnp.ones((16,), jnp.float32)

  def slot(j, b):
    @pl.when(j < nsops)
    def _do():
      pltpu.make_async_copy(dest3_hbm.at[0], idx_v.at[b], isems[b]).wait()
      pltpu.make_async_copy(edge_hbm.at[pl.ds(0, SCH)], rows_v.at[b],
                            rsems[b]).wait()
      for k in range(SCH // CHUNK):
        pltpu.async_copy(rows_v.at[b, pl.ds(k * CHUNK, CHUNK)],
                         acc_s.at[idx_v.at[b, k]], ssems[b], add=True)
        for i in range(CHUNK // 16):
          iv = idx_v[b, k, pl.ds(i * 16, 16)]
          plsc.addupdate_scatter(hist_v, [iv], ones16)
        pltpu.make_async_copy(rows_v.at[b, pl.ds(k * CHUNK, CHUNK)],
                              acc_s.at[idx_v.at[b, k]], ssems[b]).wait()

      @pl.when(j + 2 < nsops)
      def _next():
        start_loads(b, j + 2)

  def outer(g, _):
    slot(2 * g, 0)
    slot(2 * g + 1, 1)
    return 0
  lax.fori_loop(0, N_OUTER + 0 * wid, outer, 0)
  plsc.subcore_barrier()

  pltpu.sync_copy(acc_s.at[pl.ds(base, STRIPE)],
                  psums.at[core, pl.ds(base, STRIPE)])

  @pl.when(sid == NS - 1)
  def _dump_tail():
    tb = STRIPE * NS
    pltpu.sync_copy(acc_s.at[pl.ds(tb, TAIL)], psums.at[core, pl.ds(tb, TAIL)])

  pltpu.sync_copy(hist_v, pcnts.at[wid, 0])


_sc_scatter = functools.partial(
    pl.kernel,
    out_type=[
        jax.ShapeDtypeStruct((NC, N_NODES, D), jnp.float32),
        jax.ShapeDtypeStruct((NW, 1, N_NODES), jnp.float32),
    ],
    mesh=plsc.VectorSubcoreMesh(core_axis_name="c", subcore_axis_name="s"),
    scratch_types=[
        pltpu.VMEM_SHARED((N_NODES, D), jnp.float32),
        pltpu.VMEM((2, SCH // CHUNK, CHUNK), jnp.int32),
        pltpu.VMEM((2, SCH, D), jnp.float32),
        pltpu.VMEM((N_NODES,), jnp.float32),
        pltpu.SemaphoreType.DMA,
        pltpu.SemaphoreType.DMA,
        pltpu.SemaphoreType.DMA,
        pltpu.SemaphoreType.DMA,
        pltpu.SemaphoreType.DMA,
        pltpu.SemaphoreType.DMA,
    ],
    compiler_params=pltpu.CompilerParams(needs_layout_passes=False),
)(_sc_scatter_body)


def _tc_mlp_body(x_b, f_b, ps_b, pc_b, w0x, w0m, w0f, b0, w1, b1, w2, b2, o_b):
  s = ps_b[0] + ps_b[1]
  c = jnp.sum(pc_b[:, 0, :], axis=0)[:, None]
  mean = s / jnp.maximum(c, 1.0)
  h = (jnp.dot(x_b[...], w0x[...], preferred_element_type=jnp.float32)
       + jnp.dot(mean, w0m[...], preferred_element_type=jnp.float32)
       + jnp.dot(f_b[...], w0f[...], preferred_element_type=jnp.float32)
       + b0[...])
  h = h * jax.nn.sigmoid(h)
  h = jnp.dot(h, w1[...], preferred_element_type=jnp.float32) + b1[...]
  h = h * jax.nn.sigmoid(h)
  o_b[...] = jnp.dot(h, w2[...], preferred_element_type=jnp.float32) + b2[...]


_tc_mlp = pl.pallas_call(
    _tc_mlp_body,
    out_shape=jax.ShapeDtypeStruct((N_NODES, D), jnp.float32),
)


@jax.jit
def kernel(x, dest, edge_attr, f, W0, b0, W1, b1, W2, b2):
  dest3 = dest.astype(jnp.int32).reshape(N_SOPS, SCH // CHUNK, CHUNK)
  psums, pcnts = _sc_scatter(edge_attr, dest3)
  w0x = W0[:D]
  w0m = W0[D:2 * D]
  w0f = W0[2 * D:]
  return _tc_mlp(x, f, psums, pcnts, w0x, w0m, w0f, b0.reshape(1, D),
                 W1, b1.reshape(1, D), W2, b2.reshape(1, D))

# --- scband reference (transcript-rebuilt; emitter-appended) ---
"""Pipeline reference for scband-node-model-7103875907704 (READ-ONLY COPY).

The authoritative reference and input builder live on the scoring server;
editing this copy changes nothing except your own understanding.
"""

import jax, jax.numpy as jnp
import numpy as np

N_NODES = 10000
N_EDGES = 320000
DIM_HIDDEN = 128
DIM_F = 16
IN_DIM = 2 * DIM_HIDDEN + DIM_F  # 272


def setup_inputs(seed: int = 0) -> dict:
    key = jax.random.key(seed)
    k = jax.random.split(key, 16)
    x = jax.random.normal(k[0], (N_NODES, DIM_HIDDEN), dtype=jnp.float32)
    dest = jax.random.randint(k[1], (N_EDGES,), 0, N_NODES, dtype=jnp.int64 if jax.config.jax_enable_x64 else jnp.int32)
    edge_attr = jax.random.normal(k[2], (N_EDGES, DIM_HIDDEN), dtype=jnp.float32)
    f = jax.random.normal(k[3], (N_NODES, DIM_F), dtype=jnp.float32)
    # MLP params: layer_vec = [272, 128, 128, 128] -> 3 Linear layers
    def lin_init(kw, kb, fan_in, fan_out):
        bound = 1.0 / np.sqrt(fan_in)
        W = jax.random.uniform(kw, (fan_in, fan_out), minval=-bound, maxval=bound, dtype=jnp.float32)
        b = jax.random.uniform(kb, (fan_out,), minval=-bound, maxval=bound, dtype=jnp.float32)
        return W, b
    W0, b0 = lin_init(k[4], k[5], IN_DIM, DIM_HIDDEN)
    W1, b1 = lin_init(k[6], k[7], DIM_HIDDEN, DIM_HIDDEN)
    W2, b2 = lin_init(k[8], k[9], DIM_HIDDEN, DIM_HIDDEN)
    return {"x": x, "dest": dest, "edge_attr": edge_attr, "f": f,
            "W0": W0, "b0": b0, "W1": W1, "b1": b1, "W2": W2, "b2": b2}


def _scatter_mean(edge_attr, dest, dim_size):
    sums = jnp.zeros((dim_size, edge_attr.shape[1]), dtype=edge_attr.dtype).at[dest].add(edge_attr)
    counts = jnp.zeros((dim_size,), dtype=edge_attr.dtype).at[dest].add(1.0)
    counts = jnp.clip(counts, 1.0, None)
    return sums / counts[:, None]


def reference(x, dest, edge_attr, f, W0, b0, W1, b1, W2, b2):
    out = _scatter_mean(edge_attr, dest, x.shape[0])
    out = jnp.concatenate([x, out, f], axis=1)
    # MLP: Linear -> SiLU -> Linear -> SiLU -> Linear
    h = out @ W0 + b0
    h = jax.nn.silu(h)
    h = h @ W1 + b1
    h = jax.nn.silu(h)
    h = h @ W2 + b2
    return h

if __name__ == "__main__":
    import jax
    _d = setup_inputs()
    print(jax.jit(kernel)(*tuple(_d.values())))

</pallas_src>

<mosaic_0001>
#map = affine_map<(d0, d1) -> (0, 0)>
#map1 = affine_map<(d0, d1) -> (0, 0, 0)>
module attributes {stable_mosaic.version = 14 : i64} {
  func.func @_sc_scatter_body(%arg0: i32, %arg1: i32, %arg2: memref<320000x128xf32, #tpu.memory_space<hbm>>, %arg3: memref<2500x1x128xi32, #tpu.memory_space<hbm>>, %arg4: memref<2x10000x128xf32, #tpu.memory_space<hbm>>, %arg5: memref<32x1x10000xf32, #tpu.memory_space<hbm>>, %arg6: memref<10000x128xf32, #tpu.memory_space<vmem_shared>>, %arg7: memref<2x1x128xi32, #tpu.memory_space<vmem>>, %arg8: memref<2x128x128xf32, #tpu.memory_space<vmem>>, %arg9: memref<10000xf32, #tpu.memory_space<vmem>>, %arg10: memref<!tpu.dma_semaphore, #tpu.memory_space<semaphore_mem>>, %arg11: memref<!tpu.dma_semaphore, #tpu.memory_space<semaphore_mem>>, %arg12: memref<!tpu.dma_semaphore, #tpu.memory_space<semaphore_mem>>, %arg13: memref<!tpu.dma_semaphore, #tpu.memory_space<semaphore_mem>>, %arg14: memref<!tpu.dma_semaphore, #tpu.memory_space<semaphore_mem>>, %arg15: memref<!tpu.dma_semaphore, #tpu.memory_space<semaphore_mem>>) attributes {dimension_semantics = [#tpu.dimension_semantics<core_parallel>, #tpu.dimension_semantics<subcore_parallel>], iteration_bounds = array<i64: 2, 16>, scalar_prefetch = 0 : i64, scratch_operands = 10 : i64, tpu.core_type = #tpu.core_type<sc_vector_subcore>, window_params = [{transform_indices = #map}, {transform_indices = #map1}, {transform_indices = #map1}, {transform_indices = #map1}]} {
    %mul3A = arith.constant 2 : i32
    %mul3A_0 = arith.muli %arg1, %mul3A : i32
    %add3A = arith.addi %mul3A_0, %arg0 : i32
    %broadcast_in_dim3A = arith.constant 0.000000e+00 : f32
    %broadcast_in_dim3A_1 = vector.broadcast %broadcast_in_dim3A : f32 to vector<16xf32>
    %mul3A_2 = arith.constant 0 : i32
    %mul3A_3 = arith.muli %mul3A_2, %add3A : i32
    %lt3A = arith.constant 4 : i32
    %lt3A_4 = arith.cmpi slt, %add3A, %lt3A : i32
    %jit3A = arith.constant 1 : i32
    %jit3A_5 = arith.constant 0 : i32
    %select_n3A = arith.select %lt3A_4, %jit3A, %jit3A_5 : i32
    %add3A_6 = arith.constant 78 : i32
    %add3A_7 = arith.addi %add3A_6, %select_n3A : i32
    %mul3A_8 = arith.constant 78 : i32
    %mul3A_9 = arith.muli %add3A, %mul3A_8 : i32
    %min3A = arith.constant 4 : i32
    %min3A_10 = arith.minsi %add3A, %min3A : i32
    %add3A_11 = arith.addi %mul3A_9, %min3A_10 : i32
    %add3A_12 = arith.constant 1 : i32
    %add3A_13 = arith.addi %add3A_11, %add3A_12 : i32
    %dma_start3A = arith.constant 1 : i32
    %dma_start3A_14 = arith.constant 0 : i32
    %dma_start3A_15 = arith.constant 0 : i32
    %dma_start3A_16 = tpu.memref_slice %arg7[%dma_start3A, %dma_start3A_14, %dma_start3A_15] : memref<2x1x128xi32, #tpu.memory_space<vmem>> -> memref<1x1x128xi32, #tpu.memory_space<vmem>>
    %dma_start3A_17 = tpu.memref_squeeze %dma_start3A_16 : memref<1x1x128xi32, #tpu.memory_space<vmem>> -> memref<1x128xi32, #tpu.memory_space<vmem>>
    %dma_start3A_18 = arith.constant 0 : i32
    %dma_start3A_19 = arith.constant 0 : i32
    %dma_start3A_20 = tpu.memref_slice %arg3[%add3A_13, %dma_start3A_18, %dma_start3A_19] : memref<2500x1x128xi32, #tpu.memory_space<hbm>> -> memref<1x1x128xi32, #tpu.memory_space<hbm>>
    %dma_start3A_21 = tpu.memref_squeeze %dma_start3A_20 : memref<1x1x128xi32, #tpu.memory_space<hbm>> -> memref<1x128xi32, #tpu.memory_space<hbm>>
    %dma_start3A_22 = arith.constant 0 : i32
    %dma_start3A_23 = arith.constant 0 : i32
    %dma_start3A_24 = tpu.memref_slice %arg7[%dma_start3A, %dma_start3A_22, %dma_start3A_23] : memref<2x1x128xi32, #tpu.memory_space<vmem>> -> memref<1x1x128xi32, #tpu.memory_space<vmem>>
    %dma_start3A_25 = tpu.memref_squeeze %dma_start3A_24 : memref<1x1x128xi32, #tpu.memory_space<vmem>> -> memref<1x128xi32, #tpu.memory_space<vmem>>
    %dma_start3A_26 = arith.constant 0 : i32
    %dma_start3A_27 = arith.constant 0 : i32
    %dma_start3A_28 = tpu.memref_slice %arg3[%add3A_13, %dma_start3A_26, %dma_start3A_27] : memref<2500x1x128xi32, #tpu.memory_space<hbm>> -> memref<1x1x128xi32, #tpu.memory_space<hbm>>
    %dma_start3A_29 = tpu.memref_squeeze %dma_start3A_28 : memref<1x1x128xi32, #tpu.memory_space<hbm>> -> memref<1x128xi32, #tpu.memory_space<hbm>>
    tpu.enqueue_dma source(%dma_start3A_29 : memref<1x128xi32, #tpu.memory_space<hbm>>) target(%dma_start3A_25 : memref<1x128xi32, #tpu.memory_space<vmem>>) target_semaphore(%arg11 : memref<!tpu.dma_semaphore, #tpu.memory_space<semaphore_mem>>)
    %mul3A_30 = arith.constant 128 : i32
    %mul3A_31 = arith.muli %add3A_13, %mul3A_30 : i32
    %dma_start3A_32 = arith.constant 1 : i32
    %dma_start3A_33 = arith.constant 0 : i32
    %dma_start3A_34 = arith.constant 0 : i32
    %dma_start3A_35 = tpu.memref_slice %arg8[%dma_start3A_32, %dma_start3A_33, %dma_start3A_34] : memref<2x128x128xf32, #tpu.memory_space<vmem>> -> memref<1x128x128xf32, #tpu.memory_space<vmem>>
    %dma_start3A_36 = tpu.memref_squeeze %dma_start3A_35 : memref<1x128x128xf32, #tpu.memory_space<vmem>> -> memref<128x128xf32, #tpu.memory_space<vmem>>
    %dma_start3A_37 = arith.constant 0 : i32
    %dma_start3A_38 = tpu.memref_slice %arg2[%mul3A_31, %dma_start3A_37] : memref<320000x128xf32, #tpu.memory_space<hbm>> -> memref<128x128xf32, #tpu.memory_space<hbm>>
    %dma_start3A_39 = arith.constant 0 : i32
    %dma_start3A_40 = arith.constant 0 : i32
    %dma_start3A_41 = tpu.memref_slice %arg8[%dma_start3A_32, %dma_start3A_39, %dma_start3A_40] : memref<2x128x128xf32, #tpu.memory_space<vmem>> -> memref<1x128x128xf32, #tpu.memory_space<vmem>>
    %dma_start3A_42 = tpu.memref_squeeze %dma_start3A_41 : memref<1x128x128xf32, #tpu.memory_space<vmem>> -> memref<128x128xf32, #tpu.memory_space<vmem>>
    %dma_start3A_43 = arith.constant 0 : i32
    %dma_start3A_44 = tpu.memref_slice %arg2[%mul3A_31, %dma_start3A_43] : memref<320000x128xf32, #tpu.memory_space<hbm>> -> memref<128x128xf32, #tpu.memory_space<hbm>>
    tpu.enqueue_dma source(%dma_start3A_44 : memref<128x128xf32, #tpu.memory_space<hbm>>) target(%dma_start3A_42 : memref<128x128xf32, #tpu.memory_space<vmem>>) target_semaphore(%arg13 : memref<!tpu.dma_semaphore, #tpu.memory_space<semaphore_mem>>)
    %while3A = arith.constant 128 : i32
    %while3A_45 = arith.constant 0 : i32
    %while3A_46 = arith.subi %while3A, %mul3A_3 : i32
    %while3A_47 = arith.addi %mul3A_3, %while3A_46 : i32
    %while3A_48 = arith.constant 1 : i32
    %while3A_49 = arith.divsi %while3A_46, %while3A_48 : i32
    %while3A_50 = arith.muli %while3A_49, %while3A_48 : i32
    %while3A_51 = arith.addi %mul3A_3, %while3A_50 : i32
    %while3A_52 = arith.constant 1 : i32
    %while3A_53 = scf.for %while3A_145 = %mul3A_3 to %while3A_51 step %while3A_52 iter_args(%while3A_146 = %while3A_45) -> (i32)  : i32 {
      %swap3A = arith.constant 0 : i32
      %swap3A_147 = arith.index_cast %swap3A : i32 to index
      %swap3A_148 = arith.index_cast %while3A_145 : i32 to index
      %swap3A_149 = arith.constant 0 : index
      %swap3A_150 = tpu.vector_load %arg8[%swap3A_147, %swap3A_148, %swap3A_149] {strides = array<i32>} : memref<2x128x128xf32, #tpu.memory_space<vmem>>, vector<16xf32>,
      tpu.vector_store %arg8[%swap3A_147, %swap3A_148, %swap3A_149], %broadcast_in_dim3A_1 {strides = array<i32>} : memref<2x128x128xf32, #tpu.memory_space<vmem>>, vector<16xf32>,
      %swap3A_151 = arith.constant 0 : i32
      %swap3A_152 = arith.index_cast %swap3A_151 : i32 to index
      %swap3A_153 = arith.index_cast %while3A_145 : i32 to index
      %swap3A_154 = arith.constant 16 : index
      %swap3A_155 = tpu.vector_load %arg8[%swap3A_152, %swap3A_153, %swap3A_154] {strides = array<i32>} : memref<2x128x128xf32, #tpu.memory_space<vmem>>, vector<16xf32>,
      tpu.vector_store %arg8[%swap3A_152, %swap3A_153, %swap3A_154], %broadcast_in_dim3A_1 {strides = array<i32>} : memref<2x128x128xf32, #tpu.memory_space<vmem>>, vector<16xf32>,
      %swap3A_156 = arith.constant 0 : i32
      %swap3A_157 = arith.index_cast %swap3A_156 : i32 to index
      %swap3A_158 = arith.index_cast %while3A_145 : i32 to index
      %swap3A_159 = arith.constant 32 : index
      %swap3A_160 = tpu.vector_load %arg8[%swap3A_157, %swap3A_158, %swap3A_159] {strides = array<i32>} : memref<2x128x128xf32, #tpu.memory_space<vmem>>, vector<16xf32>,
      tpu.vector_store %arg8[%swap3A_157, %swap3A_158, %swap3A_159], %broadcast_in_dim3A_1 {strides = array<i32>} : memref<2x128x128xf32, #tpu.memory_space<vmem>>, vector<16xf32>,
      %swap3A_161 = arith.constant 0 : i32
      %swap3A_162 = arith.index_cast %swap3A_161 : i32 to index
      %swap3A_163 = arith.index_cast %while3A_145 : i32 to index
      %swap3A_164 = arith.constant 48 : index
      %swap3A_165 = tpu.vector_load %arg8[%swap3A_162, %swap3A_163, %swap3A_164] {strides = array<i32>} : memref<2x128x128xf32, #tpu.memory_space<vmem>>, vector<16xf32>,
      tpu.vector_store %arg8[%swap3A_162, %swap3A_163, %swap3A_164], %broadcast_in_dim3A_1 {strides = array<i32>} : memref<2x128x128xf32, #tpu.memory_space<vmem>>, vector<16xf32>,
      %swap3A_166 = arith.constant 0 : i32
      %swap3A_167 = arith.index_cast %swap3A_166 : i32 to index
      %swap3A_168 = arith.index_cast %while3A_145 : i32 to index
      %swap3A_169 = arith.constant 64 : index
      %swap3A_170 = tpu.vector_load %arg8[%swap3A_167, %swap3A_168, %swap3A_169] {strides = array<i32>} : memref<2x128x128xf32, #tpu.memory_space<vmem>>, vector<16xf32>,
      tpu.vector_store %arg8[%swap3A_167, %swap3A_168, %swap3A_169], %broadcast_in_dim3A_1 {strides = array<i32>} : memref<2x128x128xf32, #tpu.memory_space<vmem>>, vector<16xf32>,
      %swap3A_171 = arith.constant 0 : i32
      %swap3A_172 = arith.index_cast %swap3A_171 : i32 to index
      %swap3A_173 = arith.index_cast %while3A_145 : i32 to index
      %swap3A_174 = arith.constant 80 : index
      %swap3A_175 = tpu.vector_load %arg8[%swap3A_172, %swap3A_173, %swap3A_174] {strides = array<i32>} : memref<2x128x128xf32, #tpu.memory_space<vmem>>, vector<16xf32>,
      tpu.vector_store %arg8[%swap3A_172, %swap3A_173, %swap3A_174], %broadcast_in_dim3A_1 {strides = array<i32>} : memref<2x128x128xf32, #tpu.memory_space<vmem>>, vector<16xf32>,
      %swap3A_176 = arith.constant 0 : i32
      %swap3A_177 = arith.index_cast %swap3A_176 : i32 to index
      %swap3A_178 = arith.index_cast %while3A_145 : i32 to index
      %swap3A_179 = arith.constant 96 : index
      %swap3A_180 = tpu.vector_load %arg8[%swap3A_177, %swap3A_178, %swap3A_179] {strides = array<i32>} : memref<2x128x128xf32, #tpu.memory_space<vmem>>, vector<16xf32>,
      tpu.vector_store %arg8[%swap3A_177, %swap3A_178, %swap3A_179], %broadcast_in_dim3A_1 {strides = array<i32>} : memref<2x128x128xf32, #tpu.memory_space<vmem>>, vector<16xf32>,
      %swap3A_181 = arith.constant 0 : i32
      %swap3A_182 = arith.index_cast %swap3A_181 : i32 to index
      %swap3A_183 = arith.index_cast %while3A_145 : i32 to index
      %swap3A_184 = arith.constant 112 : index
      %swap3A_185 = tpu.vector_load %arg8[%swap3A_182, %swap3A_183, %swap3A_184] {strides = array<i32>} : memref<2x128x128xf32, #tpu.memory_space<vmem>>, vector<16xf32>,
      tpu.vector_store %arg8[%swap3A_182, %swap3A_183, %swap3A_184], %broadcast_in_dim3A_1 {strides = array<i32>} : memref<2x128x128xf32, #tpu.memory_space<vmem>>, vector<16xf32>,
      %while3A_186 = arith.constant 0 : i32
      scf.yield %while3A_186 : i32
    }
    %while3A_54 = arith.constant 1 : i32
    %while3A_55 = scf.for %while3A_145 = %while3A_51 to %while3A_47 step %while3A_54 iter_args(%while3A_146 = %while3A_53) -> (i32)  : i32 {
      %swap3A = arith.constant 0 : i32
      %swap3A_147 = arith.index_cast %swap3A : i32 to index
      %swap3A_148 = arith.index_cast %while3A_145 : i32 to index
      %swap3A_149 = arith.constant 0 : index
      %swap3A_150 = tpu.vector_load %arg8[%swap3A_147, %swap3A_148, %swap3A_149] {strides = array<i32>} : memref<2x128x128xf32, #tpu.memory_space<vmem>>, vector<16xf32>,
      tpu.vector_store %arg8[%swap3A_147, %swap3A_148, %swap3A_149], %broadcast_in_dim3A_1 {strides = array<i32>} : memref<2x128x128xf32, #tpu.memory_space<vmem>>, vector<16xf32>,
      %swap3A_151 = arith.constant 0 : i32
      %swap3A_152 = arith.index_cast %swap3A_151 : i32 to index
      %swap3A_153 = arith.index_cast %while3A_145 : i32 to index
      %swap3A_154 = arith.constant 16 : index
      %swap3A_155 = tpu.vector_load %arg8[%swap3A_152, %swap3A_153, %swap3A_154] {strides = array<i32>} : memref<2x128x128xf32, #tpu.memory_space<vmem>>, vector<16xf32>,
      tpu.vector_store %arg8[%swap3A_152, %swap3A_153, %swap3A_154], %broadcast_in_dim3A_1 {strides = array<i32>} : memref<2x128x128xf32, #tpu.memory_space<vmem>>, vector<16xf32>,
      %swap3A_156 = arith.constant 0 : i32
      %swap3A_157 = arith.index_cast %swap3A_156 : i32 to index
      %swap3A_158 = arith.index_cast %while3A_145 : i32 to index
      %swap3A_159 = arith.constant 32 : index
      %swap3A_160 = tpu.vector_load %arg8[%swap3A_157, %swap3A_158, %swap3A_159] {strides = array<i32>} : memref<2x128x128xf32, #tpu.memory_space<vmem>>, vector<16xf32>,
      tpu.vector_store %arg8[%swap3A_157, %swap3A_158, %swap3A_159], %broadcast_in_dim3A_1 {strides = array<i32>} : memref<2x128x128xf32, #tpu.memory_space<vmem>>, vector<16xf32>,
      %swap3A_161 = arith.constant 0 : i32
      %swap3A_162 = arith.index_cast %swap3A_161 : i32 to index
      %swap3A_163 = arith.index_cast %while3A_145 : i32 to index
      %swap3A_164 = arith.constant 48 : index
      %swap3A_165 = tpu.vector_load %arg8[%swap3A_162, %swap3A_163, %swap3A_164] {strides = array<i32>} : memref<2x128x128xf32, #tpu.memory_space<vmem>>, vector<16xf32>,
      tpu.vector_store %arg8[%swap3A_162, %swap3A_163, %swap3A_164], %broadcast_in_dim3A_1 {strides = array<i32>} : memref<2x128x128xf32, #tpu.memory_space<vmem>>, vector<16xf32>,
      %swap3A_166 = arith.constant 0 : i32
      %swap3A_167 = arith.index_cast %swap3A_166 : i32 to index
      %swap3A_168 = arith.index_cast %while3A_145 : i32 to index
      %swap3A_169 = arith.constant 64 : index
      %swap3A_170 = tpu.vector_load %arg8[%swap3A_167, %swap3A_168, %swap3A_169] {strides = array<i32>} : memref<2x128x128xf32, #tpu.memory_space<vmem>>, vector<16xf32>,
      tpu.vector_store %arg8[%swap3A_167, %swap3A_168, %swap3A_169], %broadcast_in_dim3A_1 {strides = array<i32>} : memref<2x128x128xf32, #tpu.memory_space<vmem>>, vector<16xf32>,
      %swap3A_171 = arith.constant 0 : i32
      %swap3A_172 = arith.index_cast %swap3A_171 : i32 to index
      %swap3A_173 = arith.index_cast %while3A_145 : i32 to index
      %swap3A_174 = arith.constant 80 : index
      %swap3A_175 = tpu.vector_load %arg8[%swap3A_172, %swap3A_173, %swap3A_174] {strides = array<i32>} : memref<2x128x128xf32, #tpu.memory_space<vmem>>, vector<16xf32>,
      tpu.vector_store %arg8[%swap3A_172, %swap3A_173, %swap3A_174], %broadcast_in_dim3A_1 {strides = array<i32>} : memref<2x128x128xf32, #tpu.memory_space<vmem>>, vector<16xf32>,
      %swap3A_176 = arith.constant 0 : i32
      %swap3A_177 = arith.index_cast %swap3A_176 : i32 to index
      %swap3A_178 = arith.index_cast %while3A_145 : i32 to index
      %swap3A_179 = arith.constant 96 : index
      %swap3A_180 = tpu.vector_load %arg8[%swap3A_177, %swap3A_178, %swap3A_179] {strides = array<i32>} : memref<2x128x128xf32, #tpu.memory_space<vmem>>, vector<16xf32>,
      tpu.vector_store %arg8[%swap3A_177, %swap3A_178, %swap3A_179], %broadcast_in_dim3A_1 {strides = array<i32>} : memref<2x128x128xf32, #tpu.memory_space<vmem>>, vector<16xf32>,
      %swap3A_181 = arith.constant 0 : i32
      %swap3A_182 = arith.index_cast %swap3A_181 : i32 to index
      %swap3A_183 = arith.index_cast %while3A_145 : i32 to index
      %swap3A_184 = arith.constant 112 : index
      %swap3A_185 = tpu.vector_load %arg8[%swap3A_182, %swap3A_183, %swap3A_184] {strides = array<i32>} : memref<2x128x128xf32, #tpu.memory_space<vmem>>, vector<16xf32>,
      tpu.vector_store %arg8[%swap3A_182, %swap3A_183, %swap3A_184], %broadcast_in_dim3A_1 {strides = array<i32>} : memref<2x128x128xf32, #tpu.memory_space<vmem>>, vector<16xf32>,
      %while3A_186 = arith.constant 0 : i32
      scf.yield %while3A_186 : i32
    }
    %while3A_56 = arith.constant 625 : i32
    %while3A_57 = arith.constant 0 : i32
    %while3A_58 = arith.subi %while3A_56, %mul3A_3 : i32
    %while3A_59 = arith.addi %mul3A_3, %while3A_58 : i32
    %while3A_60 = arith.constant 1 : i32
    %while3A_61 = arith.divsi %while3A_58, %while3A_60 : i32
    %while3A_62 = arith.muli %while3A_61, %while3A_60 : i32
    %while3A_63 = arith.addi %mul3A_3, %while3A_62 : i32
    %while3A_64 = arith.constant 1 : i32
    %while3A_65 = scf.for %while3A_145 = %mul3A_3 to %while3A_63 step %while3A_64 iter_args(%while3A_146 = %while3A_57) -> (i32)  : i32 {
      %mul3A_147 = arith.constant 16 : i32
      %mul3A_148 = arith.muli %while3A_145, %mul3A_147 : i32
      %swap3A = arith.index_cast %mul3A_148 : i32 to index
      %swap3A_149 = tpu.vector_load %arg9[%swap3A] {strides = array<i32>} : memref<10000xf32, #tpu.memory_space<vmem>>, vector<16xf32>,
      tpu.vector_store %arg9[%swap3A], %broadcast_in_dim3A_1 {strides = array<i32>} : memref<10000xf32, #tpu.memory_space<vmem>>, vector<16xf32>,
      %while3A_150 = arith.constant 0 : i32
      scf.yield %while3A_150 : i32
    }
    %while3A_66 = arith.constant 1 : i32
    %while3A_67 = scf.for %while3A_145 = %while3A_63 to %while3A_59 step %while3A_66 iter_args(%while3A_146 = %while3A_65) -> (i32)  : i32 {
      %mul3A_147 = arith.constant 16 : i32
      %mul3A_148 = arith.muli %while3A_145, %mul3A_147 : i32
      %swap3A = arith.index_cast %mul3A_148 : i32 to index
      %swap3A_149 = tpu.vector_load %arg9[%swap3A] {strides = array<i32>} : memref<10000xf32, #tpu.memory_space<vmem>>, vector<16xf32>,
      tpu.vector_store %arg9[%swap3A], %broadcast_in_dim3A_1 {strides = array<i32>} : memref<10000xf32, #tpu.memory_space<vmem>>, vector<16xf32>,
      %while3A_150 = arith.constant 0 : i32
      scf.yield %while3A_150 : i32
    }
    %mul3A_68 = arith.constant 624 : i32
    %mul3A_69 = arith.muli %arg1, %mul3A_68 : i32
    %while3A_70 = arith.constant 4 : i32
    %while3A_71 = arith.constant 0 : i32
    %while3A_72 = arith.subi %while3A_70, %mul3A_3 : i32
    %while3A_73 = arith.addi %mul3A_3, %while3A_72 : i32
    %while3A_74 = arith.constant 1 : i32
    %while3A_75 = arith.divsi %while3A_72, %while3A_74 : i32
    %while3A_76 = arith.muli %while3A_75, %while3A_74 : i32
    %while3A_77 = arith.addi %mul3A_3, %while3A_76 : i32
    %while3A_78 = arith.constant 1 : i32
    %while3A_79 = scf.for %while3A_145 = %mul3A_3 to %while3A_77 step %while3A_78 iter_args(%while3A_146 = %while3A_71) -> (i32)  : i32 {
      %mul3A_147 = arith.constant 128 : i32
      %mul3A_148 = arith.muli %while3A_145, %mul3A_147 : i32
      %add3A_149 = arith.addi %mul3A_69, %mul3A_148 : i32
      %run_scoped3A_150 = arith.constant 0 : i32
      "tpu.region"() ({
        %run_scoped3A_152 = tpu.sem_alloc : memref<!tpu.dma_semaphore, #tpu.memory_space<semaphore_mem>>
        %dma_start3A_153 = arith.constant 0 : i32
        %dma_start3A_154 = arith.constant 0 : i32
        %dma_start3A_155 = tpu.memref_slice %arg8[%run_scoped3A_150, %dma_start3A_153, %dma_start3A_154] : memref<2x128x128xf32, #tpu.memory_space<vmem>> -> memref<1x128x128xf32, #tpu.memory_space<vmem>>
        %dma_start3A_156 = tpu.memref_squeeze %dma_start3A_155 : memref<1x128x128xf32, #tpu.memory_space<vmem>> -> memref<128x128xf32, #tpu.memory_space<vmem>>
        %dma_start3A_157 = arith.constant 0 : i32
        %dma_start3A_158 = tpu.memref_slice %arg6[%add3A_149, %dma_start3A_157] : memref<10000x128xf32, #tpu.memory_space<vmem_shared>> -> memref<128x128xf32, #tpu.memory_space<vmem_shared>>
        %dma_start3A_159 = arith.constant 0 : i32
        %dma_start3A_160 = tpu.memref_slice %arg6[%add3A_149, %dma_start3A_159] : memref<10000x128xf32, #tpu.memory_space<vmem_shared>> -> memref<128x128xf32, #tpu.memory_space<vmem_shared>>
        %dma_start3A_161 = arith.constant 0 : i32
        %dma_start3A_162 = arith.constant 0 : i32
        %dma_start3A_163 = tpu.memref_slice %arg8[%run_scoped3A_150, %dma_start3A_161, %dma_start3A_162] : memref<2x128x128xf32, #tpu.memory_space<vmem>> -> memref<1x128x128xf32, #tpu.memory_space<vmem>>
        %dma_start3A_164 = tpu.memref_squeeze %dma_start3A_163 : memref<1x128x128xf32, #tpu.memory_space<vmem>> -> memref<128x128xf32, #tpu.memory_space<vmem>>
        tpu.enqueue_dma source(%dma_start3A_164 : memref<128x128xf32, #tpu.memory_space<vmem>>) target(%dma_start3A_160 : memref<128x128xf32, #tpu.memory_space<vmem_shared>>) target_semaphore(%run_scoped3A_152 : memref<!tpu.dma_semaphore, #tpu.memory_space<semaphore_mem>>)
        %dma_wait3A = arith.constant 0 : i32
        %dma_wait3A_165 = arith.constant 0 : i32
        %dma_wait3A_166 = tpu.memref_slice %arg8[%run_scoped3A_150, %dma_wait3A, %dma_wait3A_165] : memref<2x128x128xf32, #tpu.memory_space<vmem>> -> memref<1x128x128xf32, #tpu.memory_space<vmem>>
        %dma_wait3A_167 = tpu.memref_squeeze %dma_wait3A_166 : memref<1x128x128xf32, #tpu.memory_space<vmem>> -> memref<128x128xf32, #tpu.memory_space<vmem>>
        %dma_wait3A_168 = arith.constant 0 : i32
        %dma_wait3A_169 = tpu.memref_slice %arg6[%add3A_149, %dma_wait3A_168] : memref<10000x128xf32, #tpu.memory_space<vmem_shared>> -> memref<128x128xf32, #tpu.memory_space<vmem_shared>>
        %dma_wait3A_170 = arith.constant 0 : i32
        %dma_wait3A_171 = tpu.memref_slice %arg6[%add3A_149, %dma_wait3A_170] : memref<10000x128xf32, #tpu.memory_space<vmem_shared>> -> memref<128x128xf32, #tpu.memory_space<vmem_shared>>
        %dma_wait3A_172 = arith.constant 0 : i32
        %dma_wait3A_173 = arith.constant 0 : i32
        %dma_wait3A_174 = tpu.memref_slice %arg8[%run_scoped3A_150, %dma_wait3A_172, %dma_wait3A_173] : memref<2x128x128xf32, #tpu.memory_space<vmem>> -> memref<1x128x128xf32, #tpu.memory_space<vmem>>
        %dma_wait3A_175 = tpu.memref_squeeze %dma_wait3A_174 : memref<1x128x128xf32, #tpu.memory_space<vmem>> -> memref<128x128xf32, #tpu.memory_space<vmem>>
        tpu.wait_dma2 semaphore(%run_scoped3A_152 : memref<!tpu.dma_semaphore, #tpu.memory_space<semaphore_mem>>) src(%dma_wait3A_175 : memref<128x128xf32, #tpu.memory_space<vmem>>) dst(%dma_wait3A_171 : memref<128x128xf32, #tpu.memory_space<vmem_shared>>)
        tpu.yield
      }) : () -> ()
      %while3A_151 = arith.constant 0 : i32
      scf.yield %while3A_151 : i32
    }
    %while3A_80 = arith.constant 1 : i32
    %while3A_81 = scf.for %while3A_145 = %while3A_77 to %while3A_73 step %while3A_80 iter_args(%while3A_146 = %while3A_79) -> (i32)  : i32 {
      %mul3A_147 = arith.constant 128 : i32
      %mul3A_148 = arith.muli %while3A_145, %mul3A_147 : i32
      %add3A_149 = arith.addi %mul3A_69, %mul3A_148 : i32
      %run_scoped3A_150 = arith.constant 0 : i32
      "tpu.region"() ({
        %run_scoped3A_152 = tpu.sem_alloc : memref<!tpu.dma_semaphore, #tpu.memory_space<semaphore_mem>>
        %dma_start3A_153 = arith.constant 0 : i32
        %dma_start3A_154 = arith.constant 0 : i32
        %dma_start3A_155 = tpu.memref_slice %arg8[%run_scoped3A_150, %dma_start3A_153, %dma_start3A_154] : memref<2x128x128xf32, #tpu.memory_space<vmem>> -> memref<1x128x128xf32, #tpu.memory_space<vmem>>
        %dma_start3A_156 = tpu.memref_squeeze %dma_start3A_155 : memref<1x128x128xf32, #tpu.memory_space<vmem>> -> memref<128x128xf32, #tpu.memory_space<vmem>>
        %dma_start3A_157 = arith.constant 0 : i32
        %dma_start3A_158 = tpu.memref_slice %arg6[%add3A_149, %dma_start3A_157] : memref<10000x128xf32, #tpu.memory_space<vmem_shared>> -> memref<128x128xf32, #tpu.memory_space<vmem_shared>>
        %dma_start3A_159 = arith.constant 0 : i32
        %dma_start3A_160 = tpu.memref_slice %arg6[%add3A_149, %dma_start3A_159] : memref<10000x128xf32, #tpu.memory_space<vmem_shared>> -> memref<128x128xf32, #tpu.memory_space<vmem_shared>>
        %dma_start3A_161 = arith.constant 0 : i32
        %dma_start3A_162 = arith.constant 0 : i32
        %dma_start3A_163 = tpu.memref_slice %arg8[%run_scoped3A_150, %dma_start3A_161, %dma_start3A_162] : memref<2x128x128xf32, #tpu.memory_space<vmem>> -> memref<1x128x128xf32, #tpu.memory_space<vmem>>
        %dma_start3A_164 = tpu.memref_squeeze %dma_start3A_163 : memref<1x128x128xf32, #tpu.memory_space<vmem>> -> memref<128x128xf32, #tpu.memory_space<vmem>>
        tpu.enqueue_dma source(%dma_start3A_164 : memref<128x128xf32, #tpu.memory_space<vmem>>) target(%dma_start3A_160 : memref<128x128xf32, #tpu.memory_space<vmem_shared>>) target_semaphore(%run_scoped3A_152 : memref<!tpu.dma_semaphore, #tpu.memory_space<semaphore_mem>>)
        %dma_wait3A = arith.constant 0 : i32
        %dma_wait3A_165 = arith.constant 0 : i32
        %dma_wait3A_166 = tpu.memref_slice %arg8[%run_scoped3A_150, %dma_wait3A, %dma_wait3A_165] : memref<2x128x128xf32, #tpu.memory_space<vmem>> -> memref<1x128x128xf32, #tpu.memory_space<vmem>>
        %dma_wait3A_167 = tpu.memref_squeeze %dma_wait3A_166 : memref<1x128x128xf32, #tpu.memory_space<vmem>> -> memref<128x128xf32, #tpu.memory_space<vmem>>
        %dma_wait3A_168 = arith.constant 0 : i32
        %dma_wait3A_169 = tpu.memref_slice %arg6[%add3A_149, %dma_wait3A_168] : memref<10000x128xf32, #tpu.memory_space<vmem_shared>> -> memref<128x128xf32, #tpu.memory_space<vmem_shared>>
        %dma_wait3A_170 = arith.constant 0 : i32
        %dma_wait3A_171 = tpu.memref_slice %arg6[%add3A_149, %dma_wait3A_170] : memref<10000x128xf32, #tpu.memory_space<vmem_shared>> -> memref<128x128xf32, #tpu.memory_space<vmem_shared>>
        %dma_wait3A_172 = arith.constant 0 : i32
        %dma_wait3A_173 = arith.constant 0 : i32
        %dma_wait3A_174 = tpu.memref_slice %arg8[%run_scoped3A_150, %dma_wait3A_172, %dma_wait3A_173] : memref<2x128x128xf32, #tpu.memory_space<vmem>> -> memref<1x128x128xf32, #tpu.memory_space<vmem>>
        %dma_wait3A_175 = tpu.memref_squeeze %dma_wait3A_174 : memref<1x128x128xf32, #tpu.memory_space<vmem>> -> memref<128x128xf32, #tpu.memory_space<vmem>>
        tpu.wait_dma2 semaphore(%run_scoped3A_152 : memref<!tpu.dma_semaphore, #tpu.memory_space<semaphore_mem>>) src(%dma_wait3A_175 : memref<128x128xf32, #tpu.memory_space<vmem>>) dst(%dma_wait3A_171 : memref<128x128xf32, #tpu.memory_space<vmem_shared>>)
        tpu.yield
      }) : () -> ()
      %while3A_151 = arith.constant 0 : i32
      scf.yield %while3A_151 : i32
    }
    %add3A_82 = arith.constant 512 : i32
    %add3A_83 = arith.addi %mul3A_69, %add3A_82 : i32
    %run_scoped3A = arith.constant 0 : i32
    "tpu.region"() ({
      %run_scoped3A_145 = tpu.sem_alloc : memref<!tpu.dma_semaphore, #tpu.memory_space<semaphore_mem>>
      %dma_start3A_146 = arith.constant 0 : i32
      %dma_start3A_147 = arith.constant 0 : i32
      %dma_start3A_148 = tpu.memref_slice %arg8[%run_scoped3A, %dma_start3A_146, %dma_start3A_147] : memref<2x128x128xf32, #tpu.memory_space<vmem>> -> memref<1x112x128xf32, #tpu.memory_space<vmem>>
      %dma_start3A_149 = tpu.memref_squeeze %dma_start3A_148 : memref<1x112x128xf32, #tpu.memory_space<vmem>> -> memref<112x128xf32, #tpu.memory_space<vmem>>
      %dma_start3A_150 = arith.constant 0 : i32
      %dma_start3A_151 = tpu.memref_slice %arg6[%add3A_83, %dma_start3A_150] : memref<10000x128xf32, #tpu.memory_space<vmem_shared>> -> memref<112x128xf32, #tpu.memory_space<vmem_shared>>
      %dma_start3A_152 = arith.constant 0 : i32
      %dma_start3A_153 = tpu.memref_slice %arg6[%add3A_83, %dma_start3A_152] : memref<10000x128xf32, #tpu.memory_space<vmem_shared>> -> memref<112x128xf32, #tpu.memory_space<vmem_shared>>
      %dma_start3A_154 = arith.constant 0 : i32
      %dma_start3A_155 = arith.constant 0 : i32
      %dma_start3A_156 = tpu.memref_slice %arg8[%run_scoped3A, %dma_start3A_154, %dma_start3A_155] : memref<2x128x128xf32, #tpu.memory_space<vmem>> -> memref<1x112x128xf32, #tpu.memory_space<vmem>>
      %dma_start3A_157 = tpu.memref_squeeze %dma_start3A_156 : memref<1x112x128xf32, #tpu.memory_space<vmem>> -> memref<112x128xf32, #tpu.memory_space<vmem>>
      tpu.enqueue_dma source(%dma_start3A_157 : memref<112x128xf32, #tpu.memory_space<vmem>>) target(%dma_start3A_153 : memref<112x128xf32, #tpu.memory_space<vmem_shared>>) target_semaphore(%run_scoped3A_145 : memref<!tpu.dma_semaphore, #tpu.memory_space<semaphore_mem>>)
      %dma_wait3A = arith.constant 0 : i32
      %dma_wait3A_158 = arith.constant 0 : i32
      %dma_wait3A_159 = tpu.memref_slice %arg8[%run_scoped3A, %dma_wait3A, %dma_wait3A_158] : memref<2x128x128xf32, #tpu.memory_space<vmem>> -> memref<1x112x128xf32, #tpu.memory_space<vmem>>
      %dma_wait3A_160 = tpu.memref_squeeze %dma_wait3A_159 : memref<1x112x128xf32, #tpu.memory_space<vmem>> -> memref<112x128xf32, #tpu.memory_space<vmem>>
      %dma_wait3A_161 = arith.constant 0 : i32
      %dma_wait3A_162 = tpu.memref_slice %arg6[%add3A_83, %dma_wait3A_161] : memref<10000x128xf32, #tpu.memory_space<vmem_shared>> -> memref<112x128xf32, #tpu.memory_space<vmem_shared>>
      %dma_wait3A_163 = arith.constant 0 : i32
      %dma_wait3A_164 = tpu.memref_slice %arg6[%add3A_83, %dma_wait3A_163] : memref<10000x128xf32, #tpu.memory_space<vmem_shared>> -> memref<112x128xf32, #tpu.memory_space<vmem_shared>>
      %dma_wait3A_165 = arith.constant 0 : i32
      %dma_wait3A_166 = arith.constant 0 : i32
      %dma_wait3A_167 = tpu.memref_slice %arg8[%run_scoped3A, %dma_wait3A_165, %dma_wait3A_166] : memref<2x128x128xf32, #tpu.memory_space<vmem>> -> memref<1x112x128xf32, #tpu.memory_space<vmem>>
      %dma_wait3A_168 = tpu.memref_squeeze %dma_wait3A_167 : memref<1x112x128xf32, #tpu.memory_space<vmem>> -> memref<112x128xf32, #tpu.memory_space<vmem>>
      tpu.wait_dma2 semaphore(%run_scoped3A_145 : memref<!tpu.dma_semaphore, #tpu.memory_space<semaphore_mem>>) src(%dma_wait3A_168 : memref<112x128xf32, #tpu.memory_space<vmem>>) dst(%dma_wait3A_164 : memref<112x128xf32, #tpu.memory_space<vmem_shared>>)
      tpu.yield
    }) : () -> ()
    %eq3A = arith.constant 15 : i32
    %eq3A_84 = arith.cmpi eq, %arg1, %eq3A : i32
    %convert_element_type3A = arith.extui %eq3A_84 : i1 to i32
    %cond3A = arith.constant 0 : i32
    %cond3A_85 = arith.cmpi ne, %convert_element_type3A, %cond3A : i32
    scf.if %cond3A_85 {
      %run_scoped3A_145 = arith.constant 0 : i32
      "tpu.region"() ({
        %run_scoped3A_146 = tpu.sem_alloc : memref<!tpu.dma_semaphore, #tpu.memory_space<semaphore_mem>>
        %dma_start3A_147 = arith.constant 0 : i32
        %dma_start3A_148 = arith.constant 0 : i32
        %dma_start3A_149 = tpu.memref_slice %arg8[%run_scoped3A_145, %dma_start3A_147, %dma_start3A_148] : memref<2x128x128xf32, #tpu.memory_space<vmem>> -> memref<1x16x128xf32, #tpu.memory_space<vmem>>
        %dma_start3A_150 = tpu.memref_squeeze %dma_start3A_149 : memref<1x16x128xf32, #tpu.memory_space<vmem>> -> memref<16x128xf32, #tpu.memory_space<vmem>>
        %dma_start3A_151 = arith.constant 9984 : i32
        %dma_start3A_152 = arith.constant 0 : i32
        %dma_start3A_153 = tpu.memref_slice %arg6[%dma_start3A_151, %dma_start3A_152] : memref<10000x128xf32, #tpu.memory_space<vmem_shared>> -> memref<16x128xf32, #tpu.memory_space<vmem_shared>>
        %dma_start3A_154 = arith.constant 9984 : i32
        %dma_start3A_155 = arith.constant 0 : i32
        %dma_start3A_156 = tpu.memref_slice %arg6[%dma_start3A_154, %dma_start3A_155] : memref<10000x128xf32, #tpu.memory_space<vmem_shared>> -> memref<16x128xf32, #tpu.memory_space<vmem_shared>>
        %dma_start3A_157 = arith.constant 0 : i32
        %dma_start3A_158 = arith.constant 0 : i32
        %dma_start3A_159 = tpu.memref_slice %arg8[%run_scoped3A_145, %dma_start3A_157, %dma_start3A_158] : memref<2x128x128xf32, #tpu.memory_space<vmem>> -> memref<1x16x128xf32, #tpu.memory_space<vmem>>
        %dma_start3A_160 = tpu.memref_squeeze %dma_start3A_159 : memref<1x16x128xf32, #tpu.memory_space<vmem>> -> memref<16x128xf32, #tpu.memory_space<vmem>>
        tpu.enqueue_dma source(%dma_start3A_160 : memref<16x128xf32, #tpu.memory_space<vmem>>) target(%dma_start3A_156 : memref<16x128xf32, #tpu.memory_space<vmem_shared>>) target_semaphore(%run_scoped3A_146 : memref<!tpu.dma_semaphore, #tpu.memory_space<semaphore_mem>>)
        %dma_wait3A = arith.constant 0 : i32
        %dma_wait3A_161 = arith.constant 0 : i32
        %dma_wait3A_162 = tpu.memref_slice %arg8[%run_scoped3A_145, %dma_wait3A, %dma_wait3A_161] : memref<2x128x128xf32, #tpu.memory_space<vmem>> -> memref<1x16x128xf32, #tpu.memory_space<vmem>>
        %dma_wait3A_163 = tpu.memref_squeeze %dma_wait3A_162 : memref<1x16x128xf32, #tpu.memory_space<vmem>> -> memref<16x128xf32, #tpu.memory_space<vmem>>
        %dma_wait3A_164 = arith.constant 9984 : i32
        %dma_wait3A_165 = arith.constant 0 : i32
        %dma_wait3A_166 = tpu.memref_slice %arg6[%dma_wait3A_164, %dma_wait3A_165] : memref<10000x128xf32, #tpu.memory_space<vmem_shared>> -> memref<16x128xf32, #tpu.memory_space<vmem_shared>>
        %dma_wait3A_167 = arith.constant 9984 : i32
        %dma_wait3A_168 = arith.constant 0 : i32
        %dma_wait3A_169 = tpu.memref_slice %arg6[%dma_wait3A_167, %dma_wait3A_168] : memref<10000x128xf32, #tpu.memory_space<vmem_shared>> -> memref<16x128xf32, #tpu.memory_space<vmem_shared>>
        %dma_wait3A_170 = arith.constant 0 : i32
        %dma_wait3A_171 = arith.constant 0 : i32
        %dma_wait3A_172 = tpu.memref_slice %arg8[%run_scoped3A_145, %dma_wait3A_170, %dma_wait3A_171] : memref<2x128x128xf32, #tpu.memory_space<vmem>> -> memref<1x16x128xf32, #tpu.memory_space<vmem>>
        %dma_wait3A_173 = tpu.memref_squeeze %dma_wait3A_172 : memref<1x16x128xf32, #tpu.memory_space<vmem>> -> memref<16x128xf32, #tpu.memory_space<vmem>>
        tpu.wait_dma2 semaphore(%run_scoped3A_146 : memref<!tpu.dma_semaphore, #tpu.memory_space<semaphore_mem>>) src(%dma_wait3A_173 : memref<16x128xf32, #tpu.memory_space<vmem>>) dst(%dma_wait3A_169 : memref<16x128xf32, #tpu.memory_space<vmem_shared>>)
        tpu.yield
      }) : () -> ()
    } else {
    }
    %add3A_86 = arith.constant 0 : i32
    %add3A_87 = arith.addi %add3A_11, %add3A_86 : i32
    %dma_start3A_88 = arith.constant 0 : i32
    %dma_start3A_89 = arith.constant 0 : i32
    %dma_start3A_90 = arith.constant 0 : i32
    %dma_start3A_91 = tpu.memref_slice %arg7[%dma_start3A_88, %dma_start3A_89, %dma_start3A_90] : memref<2x1x128xi32, #tpu.memory_space<vmem>> -> memref<1x1x128xi32, #tpu.memory_space<vmem>>
    %dma_start3A_92 = tpu.memref_squeeze %dma_start3A_91 : memref<1x1x128xi32, #tpu.memory_space<vmem>> -> memref<1x128xi32, #tpu.memory_space<vmem>>
    %dma_start3A_93 = arith.constant 0 : i32
    %dma_start3A_94 = arith.constant 0 : i32
    %dma_start3A_95 = tpu.memref_slice %arg3[%add3A_87, %dma_start3A_93, %dma_start3A_94] : memref<2500x1x128xi32, #tpu.memory_space<hbm>> -> memref<1x1x128xi32, #tpu.memory_space<hbm>>
    %dma_start3A_96 = tpu.memref_squeeze %dma_start3A_95 : memref<1x1x128xi32, #tpu.memory_space<hbm>> -> memref<1x128xi32, #tpu.memory_space<hbm>>
    %dma_start3A_97 = arith.constant 0 : i32
    %dma_start3A_98 = arith.constant 0 : i32
    %dma_start3A_99 = tpu.memref_slice %arg7[%dma_start3A_88, %dma_start3A_97, %dma_start3A_98] : memref<2x1x128xi32, #tpu.memory_space<vmem>> -> memref<1x1x128xi32, #tpu.memory_space<vmem>>
    %dma_start3A_100 = tpu.memref_squeeze %dma_start3A_99 : memref<1x1x128xi32, #tpu.memory_space<vmem>> -> memref<1x128xi32, #tpu.memory_space<vmem>>
    %dma_start3A_101 = arith.constant 0 : i32
    %dma_start3A_102 = arith.constant 0 : i32
    %dma_start3A_103 = tpu.memref_slice %arg3[%add3A_87, %dma_start3A_101, %dma_start3A_102] : memref<2500x1x128xi32, #tpu.memory_space<hbm>> -> memref<1x1x128xi32, #tpu.memory_space<hbm>>
    %dma_start3A_104 = tpu.memref_squeeze %dma_start3A_103 : memref<1x1x128xi32, #tpu.memory_space<hbm>> -> memref<1x128xi32, #tpu.memory_space<hbm>>
    tpu.enqueue_dma source(%dma_start3A_104 : memref<1x128xi32, #tpu.memory_space<hbm>>) target(%dma_start3A_100 : memref<1x128xi32, #tpu.memory_space<vmem>>) target_semaphore(%arg10 : memref<!tpu.dma_semaphore, #tpu.memory_space<semaphore_mem>>)
    %mul3A_105 = arith.constant 128 : i32
    %mul3A_106 = arith.muli %add3A_87, %mul3A_105 : i32
    %dma_start3A_107 = arith.constant 0 : i32
    %dma_start3A_108 = arith.constant 0 : i32
    %dma_start3A_109 = arith.constant 0 : i32
    %dma_start3A_110 = tpu.memref_slice %arg8[%dma_start3A_107, %dma_start3A_108, %dma_start3A_109] : memref<2x128x128xf32, #tpu.memory_space<vmem>> -> memref<1x128x128xf32, #tpu.memory_space<vmem>>
    %dma_start3A_111 = tpu.memref_squeeze %dma_start3A_110 : memref<1x128x128xf32, #tpu.memory_space<vmem>> -> memref<128x128xf32, #tpu.memory_space<vmem>>
    %dma_start3A_112 = arith.constant 0 : i32
    %dma_start3A_113 = tpu.memref_slice %arg2[%mul3A_106, %dma_start3A_112] : memref<320000x128xf32, #tpu.memory_space<hbm>> -> memref<128x128xf32, #tpu.memory_space<hbm>>
    %dma_start3A_114 = arith.constant 0 : i32
    %dma_start3A_115 = arith.constant 0 : i32
    %dma_start3A_116 = tpu.memref_slice %arg8[%dma_start3A_107, %dma_start3A_114, %dma_start3A_115] : memref<2x128x128xf32, #tpu.memory_space<vmem>> -> memref<1x128x128xf32, #tpu.memory_space<vmem>>
    %dma_start3A_117 = tpu.memref_squeeze %dma_start3A_116 : memref<1x128x128xf32, #tpu.memory_space<vmem>> -> memref<128x128xf32, #tpu.memory_space<vmem>>
    %dma_start3A_118 = arith.constant 0 : i32
    %dma_start3A_119 = tpu.memref_slice %arg2[%mul3A_106, %dma_start3A_118] : memref<320000x128xf32, #tpu.memory_space<hbm>> -> memref<128x128xf32, #tpu.memory_space<hbm>>
    tpu.enqueue_dma source(%dma_start3A_119 : memref<128x128xf32, #tpu.memory_space<hbm>>) target(%dma_start3A_117 : memref<128x128xf32, #tpu.memory_space<vmem>>) target_semaphore(%arg12 : memref<!tpu.dma_semaphore, #tpu.memory_space<semaphore_mem>>)
    %barrier3A = arith.constant 0 : index
    tpu.barrier barrier_id(%barrier3A)
    %broadcast_in_dim3A_120 = arith.constant 1.000000e+00 : f32
    %broadcast_in_dim3A_121 = vector.broadcast %broadcast_in_dim3A_120 : f32 to vector<16xf32>
    %mul3A_122 = arith.constant 0 : i32
    %mul3A_123 = arith.muli %mul3A_122, %add3A : i32
    %add3A_124 = arith.constant 40 : i32
    %add3A_125 = arith.addi %add3A_124, %mul3A_123 : i32
    %while3A_126 = arith.constant 0 : i32
    %while3A_127 = arith.constant 0 : i32
    %while3A_128 = arith.subi %add3A_125, %while3A_126 : i32
    %while3A_129 = arith.addi %while3A_126, %while3A_128 : i32
    %while3A_130 = arith.constant 1 : i32
    %while3A_131 = arith.divsi %while3A_128, %while3A_130 : i32
    %while3A_132 = arith.muli %while3A_131, %while3A_130 : i32
    %while3A_133 = arith.addi %while3A_126, %while3A_132 : i32
    %while3A_134 = arith.constant 1 : i32
    %while3A_135 = scf.for %while3A_145 = %while3A_126 to %while3A_133 step %while3A_134 iter_args(%while3A_146 = %while3A_127) -> (i32)  : i32 {
      %mul3A_147 = arith.constant 2 : i32
      %mul3A_148 = arith.muli %mul3A_147, %while3A_145 : i32
      %lt3A_149 = arith.cmpi slt, %mul3A_148, %add3A_7 : i32
      %convert_element_type3A_150 = arith.extui %lt3A_149 : i1 to i32
      %cond3A_151 = arith.constant 0 : i32
      %cond3A_152 = arith.cmpi ne, %convert_element_type3A_150, %cond3A_151 : i32
      scf.if %cond3A_152 {
        %dma_wait3A = arith.constant 0 : i32
        %dma_wait3A_162 = arith.constant 0 : i32
        %dma_wait3A_163 = arith.constant 0 : i32
        %dma_wait3A_164 = arith.constant 0 : i32
        %dma_wait3A_165 = tpu.memref_slice %arg7[%dma_wait3A_162, %dma_wait3A_163, %dma_wait3A_164] : memref<2x1x128xi32, #tpu.memory_space<vmem>> -> memref<1x1x128xi32, #tpu.memory_space<vmem>>
        %dma_wait3A_166 = tpu.memref_squeeze %dma_wait3A_165 : memref<1x1x128xi32, #tpu.memory_space<vmem>> -> memref<1x128xi32, #tpu.memory_space<vmem>>
        %dma_wait3A_167 = arith.constant 0 : i32
        %dma_wait3A_168 = arith.constant 0 : i32
        %dma_wait3A_169 = tpu.memref_slice %arg3[%dma_wait3A, %dma_wait3A_167, %dma_wait3A_168] : memref<2500x1x128xi32, #tpu.memory_space<hbm>> -> memref<1x1x128xi32, #tpu.memory_space<hbm>>
        %dma_wait3A_170 = tpu.memref_squeeze %dma_wait3A_169 : memref<1x1x128xi32, #tpu.memory_space<hbm>> -> memref<1x128xi32, #tpu.memory_space<hbm>>
        %dma_wait3A_171 = arith.constant 0 : i32
        %dma_wait3A_172 = arith.constant 0 : i32
        %dma_wait3A_173 = tpu.memref_slice %arg7[%dma_wait3A_162, %dma_wait3A_171, %dma_wait3A_172] : memref<2x1x128xi32, #tpu.memory_space<vmem>> -> memref<1x1x128xi32, #tpu.memory_space<vmem>>
        %dma_wait3A_174 = tpu.memref_squeeze %dma_wait3A_173 : memref<1x1x128xi32, #tpu.memory_space<vmem>> -> memref<1x128xi32, #tpu.memory_space<vmem>>
        %dma_wait3A_175 = arith.constant 0 : i32
        %dma_wait3A_176 = arith.constant 0 : i32
        %dma_wait3A_177 = tpu.memref_slice %arg3[%dma_wait3A, %dma_wait3A_175, %dma_wait3A_176] : memref<2500x1x128xi32, #tpu.memory_space<hbm>> -> memref<1x1x128xi32, #tpu.memory_space<hbm>>
        %dma_wait3A_178 = tpu.memref_squeeze %dma_wait3A_177 : memref<1x1x128xi32, #tpu.memory_space<hbm>> -> memref<1x128xi32, #tpu.memory_space<hbm>>
        tpu.wait_dma2 semaphore(%arg10 : memref<!tpu.dma_semaphore, #tpu.memory_space<semaphore_mem>>) src(%dma_wait3A_178 : memref<1x128xi32, #tpu.memory_space<hbm>>) dst(%dma_wait3A_174 : memref<1x128xi32, #tpu.memory_space<vmem>>)
        %dma_wait3A_179 = arith.constant 0 : i32
        %dma_wait3A_180 = arith.constant 0 : i32
        %dma_wait3A_181 = arith.constant 0 : i32
        %dma_wait3A_182 = tpu.memref_slice %arg8[%dma_wait3A_179, %dma_wait3A_180, %dma_wait3A_181] : memref<2x128x128xf32, #tpu.memory_space<vmem>> -> memref<1x128x128xf32, #tpu.memory_space<vmem>>
        %dma_wait3A_183 = tpu.memref_squeeze %dma_wait3A_182 : memref<1x128x128xf32, #tpu.memory_space<vmem>> -> memref<128x128xf32, #tpu.memory_space<vmem>>
        %dma_wait3A_184 = arith.constant 0 : i32
        %dma_wait3A_185 = arith.constant 0 : i32
        %dma_wait3A_186 = tpu.memref_slice %arg2[%dma_wait3A_184, %dma_wait3A_185] : memref<320000x128xf32, #tpu.memory_space<hbm>> -> memref<128x128xf32, #tpu.memory_space<hbm>>
        %dma_wait3A_187 = arith.constant 0 : i32
        %dma_wait3A_188 = arith.constant 0 : i32
        %dma_wait3A_189 = tpu.memref_slice %arg8[%dma_wait3A_179, %dma_wait3A_187, %dma_wait3A_188] : memref<2x128x128xf32, #tpu.memory_space<vmem>> -> memref<1x128x128xf32, #tpu.memory_space<vmem>>
        %dma_wait3A_190 = tpu.memref_squeeze %dma_wait3A_189 : memref<1x128x128xf32, #tpu.memory_space<vmem>> -> memref<128x128xf32, #tpu.memory_space<vmem>>
        %dma_wait3A_191 = arith.constant 0 : i32
        %dma_wait3A_192 = arith.constant 0 : i32
        %dma_wait3A_193 = tpu.memref_slice %arg2[%dma_wait3A_191, %dma_wait3A_192] : memref<320000x128xf32, #tpu.memory_space<hbm>> -> memref<128x128xf32, #tpu.memory_space<hbm>>
        tpu.wait_dma2 semaphore(%arg12 : memref<!tpu.dma_semaphore, #tpu.memory_space<semaphore_mem>>) src(%dma_wait3A_193 : memref<128x128xf32, #tpu.memory_space<hbm>>) dst(%dma_wait3A_190 : memref<128x128xf32, #tpu.memory_space<vmem>>)
        %dma_start3A_194 = arith.constant 0 : i32
        %dma_start3A_195 = arith.constant 0 : i32
        %dma_start3A_196 = arith.constant 0 : i32
        %dma_start3A_197 = arith.constant 0 : i32
        %dma_start3A_198 = arith.constant 0 : i32
        %dma_start3A_199 = tpu.memref_slice %arg8[%dma_start3A_194, %dma_start3A_197, %dma_start3A_198] : memref<2x128x128xf32, #tpu.memory_space<vmem>> -> memref<1x128x128xf32, #tpu.memory_space<vmem>>
        %dma_start3A_200 = tpu.memref_squeeze %dma_start3A_199 : memref<1x128x128xf32, #tpu.memory_space<vmem>> -> memref<128x128xf32, #tpu.memory_space<vmem>>
        %dma_start3A_201 = arith.constant 0 : i32
        %dma_start3A_202 = tpu.memref_slice %arg7[%dma_start3A_195, %dma_start3A_196, %dma_start3A_201] : memref<2x1x128xi32, #tpu.memory_space<vmem>> -> memref<1x1x128xi32, #tpu.memory_space<vmem>>
        %dma_start3A_203 = tpu.memref_squeeze %dma_start3A_202 : memref<1x1x128xi32, #tpu.memory_space<vmem>> -> memref<128xi32, #tpu.memory_space<vmem>>
        %dma_start3A_204 = arith.constant 0 : i32
        %dma_start3A_205 = arith.constant 0 : i32
        %dma_start3A_206 = tpu.memref_slice %arg6[%dma_start3A_204, %dma_start3A_205] : memref<10000x128xf32, #tpu.memory_space<vmem_shared>> -> memref<10000x128xf32, #tpu.memory_space<vmem_shared>>
        tpu.enqueue_indirect_dma source(%dma_start3A_200 : memref<128x128xf32, #tpu.memory_space<vmem>>) target(%dma_start3A_206 : memref<10000x128xf32, #tpu.memory_space<vmem_shared>>) offsets(%dma_start3A_203 : memref<128xi32, #tpu.memory_space<vmem>>) semaphore(%arg14 : memref<!tpu.dma_semaphore, #tpu.memory_space<semaphore_mem>>) {add = true}
        %get3A = arith.constant 0 : i32
        %get3A_207 = arith.constant 0 : i32
        %get3A_208 = arith.index_cast %get3A : i32 to index
        %get3A_209 = arith.index_cast %get3A_207 : i32 to index
        %get3A_210 = arith.constant 0 : index
        %get3A_211 = tpu.vector_load %arg7[%get3A_208, %get3A_209, %get3A_210] {strides = array<i32>} : memref<2x1x128xi32, #tpu.memory_space<vmem>>, vector<16xi32>,
        tpu.vector_store_idx %arg9[%get3A_211], %broadcast_in_dim3A_121 {add = true} : memref<10000xf32, #tpu.memory_space<vmem>>[vector<16xi32>], vector<16xf32>,
        %get3A_212 = arith.constant 0 : i32
        %get3A_213 = arith.constant 0 : i32
        %get3A_214 = arith.index_cast %get3A_212 : i32 to index
        %get3A_215 = arith.index_cast %get3A_213 : i32 to index
        %get3A_216 = arith.constant 16 : index
        %get3A_217 = tpu.vector_load %arg7[%get3A_214, %get3A_215, %get3A_216] {strides = array<i32>} : memref<2x1x128xi32, #tpu.memory_space<vmem>>, vector<16xi32>,
        tpu.vector_store_idx %arg9[%get3A_217], %broadcast_in_dim3A_121 {add = true} : memref<10000xf32, #tpu.memory_space<vmem>>[vector<16xi32>], vector<16xf32>,
        %get3A_218 = arith.constant 0 : i32
        %get3A_219 = arith.constant 0 : i32
        %get3A_220 = arith.index_cast %get3A_218 : i32 to index
        %get3A_221 = arith.index_cast %get3A_219 : i32 to index
        %get3A_222 = arith.constant 32 : index
        %get3A_223 = tpu.vector_load %arg7[%get3A_220, %get3A_221, %get3A_222] {strides = array<i32>} : memref<2x1x128xi32, #tpu.memory_space<vmem>>, vector<16xi32>,
        tpu.vector_store_idx %arg9[%get3A_223], %broadcast_in_dim3A_121 {add = true} : memref<10000xf32, #tpu.memory_space<vmem>>[vector<16xi32>], vector<16xf32>,
        %get3A_224 = arith.constant 0 : i32
        %get3A_225 = arith.constant 0 : i32
        %get3A_226 = arith.index_cast %get3A_224 : i32 to index
        %get3A_227 = arith.index_cast %get3A_225 : i32 to index
        %get3A_228 = arith.constant 48 : index
        %get3A_229 = tpu.vector_load %arg7[%get3A_226, %get3A_227, %get3A_228] {strides = array<i32>} : memref<2x1x128xi32, #tpu.memory_space<vmem>>, vector<16xi32>,
        tpu.vector_store_idx %arg9[%get3A_229], %broadcast_in_dim3A_121 {add = true} : memref<10000xf32, #tpu.memory_space<vmem>>[vector<16xi32>], vector<16xf32>,
        %get3A_230 = arith.constant 0 : i32
        %get3A_231 = arith.constant 0 : i32
        %get3A_232 = arith.index_cast %get3A_230 : i32 to index
        %get3A_233 = arith.index_cast %get3A_231 : i32 to index
        %get3A_234 = arith.constant 64 : index
        %get3A_235 = tpu.vector_load %arg7[%get3A_232, %get3A_233, %get3A_234] {strides = array<i32>} : memref<2x1x128xi32, #tpu.memory_space<vmem>>, vector<16xi32>,
        tpu.vector_store_idx %arg9[%get3A_235], %broadcast_in_dim3A_121 {add = true} : memref<10000xf32, #tpu.memory_space<vmem>>[vector<16xi32>], vector<16xf32>,
        %get3A_236 = arith.constant 0 : i32
        %get3A_237 = arith.constant 0 : i32
        %get3A_238 = arith.index_cast %get3A_236 : i32 to index
        %get3A_239 = arith.index_cast %get3A_237 : i32 to index
        %get3A_240 = arith.constant 80 : index
        %get3A_241 = tpu.vector_load %arg7[%get3A_238, %get3A_239, %get3A_240] {strides = array<i32>} : memref<2x1x128xi32, #tpu.memory_space<vmem>>, vector<16xi32>,
        tpu.vector_store_idx %arg9[%get3A_241], %broadcast_in_dim3A_121 {add = true} : memref<10000xf32, #tpu.memory_space<vmem>>[vector<16xi32>], vector<16xf32>,
        %get3A_242 = arith.constant 0 : i32
        %get3A_243 = arith.constant 0 : i32
        %get3A_244 = arith.index_cast %get3A_242 : i32 to index
        %get3A_245 = arith.index_cast %get3A_243 : i32 to index
        %get3A_246 = arith.constant 96 : index
        %get3A_247 = tpu.vector_load %arg7[%get3A_244, %get3A_245, %get3A_246] {strides = array<i32>} : memref<2x1x128xi32, #tpu.memory_space<vmem>>, vector<16xi32>,
        tpu.vector_store_idx %arg9[%get3A_247], %broadcast_in_dim3A_121 {add = true} : memref<10000xf32, #tpu.memory_space<vmem>>[vector<16xi32>], vector<16xf32>,
        %get3A_248 = arith.constant 0 : i32
        %get3A_249 = arith.constant 0 : i32
        %get3A_250 = arith.index_cast %get3A_248 : i32 to index
        %get3A_251 = arith.index_cast %get3A_249 : i32 to index
        %get3A_252 = arith.constant 112 : index
        %get3A_253 = tpu.vector_load %arg7[%get3A_250, %get3A_251, %get3A_252] {strides = array<i32>} : memref<2x1x128xi32, #tpu.memory_space<vmem>>, vector<16xi32>,
        tpu.vector_store_idx %arg9[%get3A_253], %broadcast_in_dim3A_121 {add = true} : memref<10000xf32, #tpu.memory_space<vmem>>[vector<16xi32>], vector<16xf32>,
        %dma_wait3A_254 = arith.constant 0 : i32
        %dma_wait3A_255 = arith.constant 0 : i32
        %dma_wait3A_256 = arith.constant 0 : i32
        %dma_wait3A_257 = arith.constant 0 : i32
        %dma_wait3A_258 = arith.constant 0 : i32
        %dma_wait3A_259 = tpu.memref_slice %arg8[%dma_wait3A_254, %dma_wait3A_257, %dma_wait3A_258] : memref<2x128x128xf32, #tpu.memory_space<vmem>> -> memref<1x128x128xf32, #tpu.memory_space<vmem>>
        %dma_wait3A_260 = tpu.memref_squeeze %dma_wait3A_259 : memref<1x128x128xf32, #tpu.memory_space<vmem>> -> memref<128x128xf32, #tpu.memory_space<vmem>>
        %dma_wait3A_261 = arith.constant 0 : i32
        %dma_wait3A_262 = tpu.memref_slice %arg7[%dma_wait3A_255, %dma_wait3A_256, %dma_wait3A_261] : memref<2x1x128xi32, #tpu.memory_space<vmem>> -> memref<1x1x128xi32, #tpu.memory_space<vmem>>
        %dma_wait3A_263 = tpu.memref_squeeze %dma_wait3A_262 : memref<1x1x128xi32, #tpu.memory_space<vmem>> -> memref<128xi32, #tpu.memory_space<vmem>>
        %dma_wait3A_264 = arith.constant 0 : i32
        %dma_wait3A_265 = arith.constant 0 : i32
        %dma_wait3A_266 = tpu.memref_slice %arg6[%dma_wait3A_264, %dma_wait3A_265] : memref<10000x128xf32, #tpu.memory_space<vmem_shared>> -> memref<10000x128xf32, #tpu.memory_space<vmem_shared>>
        tpu.wait_indirect_dma semaphore(%arg14 : memref<!tpu.dma_semaphore, #tpu.memory_space<semaphore_mem>>) src(%dma_wait3A_260 : memref<128x128xf32, #tpu.memory_space<vmem>>) dst(%dma_wait3A_266 : memref<10000x128xf32, #tpu.memory_space<vmem_shared>>)
        %add3A_267 = arith.constant 2 : i32
        %add3A_268 = arith.addi %mul3A_148, %add3A_267 : i32
        %lt3A_269 = arith.cmpi slt, %add3A_268, %add3A_7 : i32
        %convert_element_type3A_270 = arith.extui %lt3A_269 : i1 to i32
        %cond3A_271 = arith.constant 0 : i32
        %cond3A_272 = arith.cmpi ne, %convert_element_type3A_270, %cond3A_271 : i32
        scf.if %cond3A_272 {
          %add3A_273 = arith.constant 2 : i32
          %add3A_274 = arith.addi %mul3A_148, %add3A_273 : i32
          %add3A_275 = arith.addi %add3A_11, %add3A_274 : i32
          %dma_start3A_276 = arith.constant 0 : i32
          %dma_start3A_277 = arith.constant 0 : i32
          %dma_start3A_278 = arith.constant 0 : i32
          %dma_start3A_279 = tpu.memref_slice %arg7[%dma_start3A_276, %dma_start3A_277, %dma_start3A_278] : memref<2x1x128xi32, #tpu.memory_space<vmem>> -> memref<1x1x128xi32, #tpu.memory_space<vmem>>
          %dma_start3A_280 = tpu.memref_squeeze %dma_start3A_279 : memref<1x1x128xi32, #tpu.memory_space<vmem>> -> memref<1x128xi32, #tpu.memory_space<vmem>>
          %dma_start3A_281 = arith.constant 0 : i32
          %dma_start3A_282 = arith.constant 0 : i32
          %dma_start3A_283 = tpu.memref_slice %arg3[%add3A_275, %dma_start3A_281, %dma_start3A_282] : memref<2500x1x128xi32, #tpu.memory_space<hbm>> -> memref<1x1x128xi32, #tpu.memory_space<hbm>>
          %dma_start3A_284 = tpu.memref_squeeze %dma_start3A_283 : memref<1x1x128xi32, #tpu.memory_space<hbm>> -> memref<1x128xi32, #tpu.memory_space<hbm>>
          %dma_start3A_285 = arith.constant 0 : i32
          %dma_start3A_286 = arith.constant 0 : i32
          %dma_start3A_287 = tpu.memref_slice %arg7[%dma_start3A_276, %dma_start3A_285, %dma_start3A_286] : memref<2x1x128xi32, #tpu.memory_space<vmem>> -> memref<1x1x128xi32, #tpu.memory_space<vmem>>
          %dma_start3A_288 = tpu.memref_squeeze %dma_start3A_287 : memref<1x1x128xi32, #tpu.memory_space<vmem>> -> memref<1x128xi32, #tpu.memory_space<vmem>>
          %dma_start3A_289 = arith.constant 0 : i32
          %dma_start3A_290 = arith.constant 0 : i32
          %dma_start3A_291 = tpu.memref_slice %arg3[%add3A_275, %dma_start3A_289, %dma_start3A_290] : memref<2500x1x128xi32, #tpu.memory_space<hbm>> -> memref<1x1x128xi32, #tpu.memory_space<hbm>>
          %dma_start3A_292 = tpu.memref_squeeze %dma_start3A_291 : memref<1x1x128xi32, #tpu.memory_space<hbm>> -> memref<1x128xi32, #tpu.memory_space<hbm>>
          tpu.enqueue_dma source(%dma_start3A_292 : memref<1x128xi32, #tpu.memory_space<hbm>>) target(%dma_start3A_288 : memref<1x128xi32, #tpu.memory_space<vmem>>) target_semaphore(%arg10 : memref<!tpu.dma_semaphore, #tpu.memory_space<semaphore_mem>>)
          %mul3A_293 = arith.constant 128 : i32
          %mul3A_294 = arith.muli %add3A_275, %mul3A_293 : i32
          %dma_start3A_295 = arith.constant 0 : i32
          %dma_start3A_296 = arith.constant 0 : i32
          %dma_start3A_297 = arith.constant 0 : i32
          %dma_start3A_298 = tpu.memref_slice %arg8[%dma_start3A_295, %dma_start3A_296, %dma_start3A_297] : memref<2x128x128xf32, #tpu.memory_space<vmem>> -> memref<1x128x128xf32, #tpu.memory_space<vmem>>
          %dma_start3A_299 = tpu.memref_squeeze %dma_start3A_298 : memref<1x128x128xf32, #tpu.memory_space<vmem>> -> memref<128x128xf32, #tpu.memory_space<vmem>>
          %dma_start3A_300 = arith.constant 0 : i32
          %dma_start3A_301 = tpu.memref_slice %arg2[%mul3A_294, %dma_start3A_300] : memref<320000x128xf32, #tpu.memory_space<hbm>> -> memref<128x128xf32, #tpu.memory_space<hbm>>
          %dma_start3A_302 = arith.constant 0 : i32
          %dma_start3A_303 = arith.constant 0 : i32
          %dma_start3A_304 = tpu.memref_slice %arg8[%dma_start3A_295, %dma_start3A_302, %dma_start3A_303] : memref<2x128x128xf32, #tpu.memory_space<vmem>> -> memref<1x128x128xf32, #tpu.memory_space<vmem>>
          %dma_start3A_305 = tpu.memref_squeeze %dma_start3A_304 : memref<1x128x128xf32, #tpu.memory_space<vmem>> -> memref<128x128xf32, #tpu.memory_space<vmem>>
          %dma_start3A_306 = arith.constant 0 : i32
          %dma_start3A_307 = tpu.memref_slice %arg2[%mul3A_294, %dma_start3A_306] : memref<320000x128xf32, #tpu.memory_space<hbm>> -> memref<128x128xf32, #tpu.memory_space<hbm>>
          tpu.enqueue_dma source(%dma_start3A_307 : memref<128x128xf32, #tpu.memory_space<hbm>>) target(%dma_start3A_305 : memref<128x128xf32, #tpu.memory_space<vmem>>) target_semaphore(%arg12 : memref<!tpu.dma_semaphore, #tpu.memory_space<semaphore_mem>>)
        } else {
        }
      } else {
      }
      %mul3A_153 = arith.constant 2 : i32
      %mul3A_154 = arith.muli %mul3A_153, %while3A_145 : i32
      %add3A_155 = arith.constant 1 : i32
      %add3A_156 = arith.addi %mul3A_154, %add3A_155 : i32
      %lt3A_157 = arith.cmpi slt, %add3A_156, %add3A_7 : i32
      %convert_element_type3A_158 = arith.extui %lt3A_157 : i1 to i32
      %cond3A_159 = arith.constant 0 : i32
      %cond3A_160 = arith.cmpi ne, %convert_element_type3A_158, %cond3A_159 : i32
      scf.if %cond3A_160 {
        %dma_wait3A = arith.constant 0 : i32
        %dma_wait3A_162 = arith.constant 1 : i32
        %dma_wait3A_163 = arith.constant 0 : i32
        %dma_wait3A_164 = arith.constant 0 : i32
        %dma_wait3A_165 = tpu.memref_slice %arg7[%dma_wait3A_162, %dma_wait3A_163, %dma_wait3A_164] : memref<2x1x128xi32, #tpu.memory_space<vmem>> -> memref<1x1x128xi32, #tpu.memory_space<vmem>>
        %dma_wait3A_166 = tpu.memref_squeeze %dma_wait3A_165 : memref<1x1x128xi32, #tpu.memory_space<vmem>> -> memref<1x128xi32, #tpu.memory_space<vmem>>
        %dma_wait3A_167 = arith.constant 0 : i32
        %dma_wait3A_168 = arith.constant 0 : i32
        %dma_wait3A_169 = tpu.memref_slice %arg3[%dma_wait3A, %dma_wait3A_167, %dma_wait3A_168] : memref<2500x1x128xi32, #tpu.memory_space<hbm>> -> memref<1x1x128xi32, #tpu.memory_space<hbm>>
        %dma_wait3A_170 = tpu.memref_squeeze %dma_wait3A_169 : memref<1x1x128xi32, #tpu.memory_space<hbm>> -> memref<1x128xi32, #tpu.memory_space<hbm>>
        %dma_wait3A_171 = arith.constant 0 : i32
        %dma_wait3A_172 = arith.constant 0 : i32
        %dma_wait3A_173 = tpu.memref_slice %arg7[%dma_wait3A_162, %dma_wait3A_171, %dma_wait3A_172] : memref<2x1x128xi32, #tpu.memory_space<vmem>> -> memref<1x1x128xi32, #tpu.memory_space<vmem>>
        %dma_wait3A_174 = tpu.memref_squeeze %dma_wait3A_173 : memref<1x1x128xi32, #tpu.memory_space<vmem>> -> memref<1x128xi32, #tpu.memory_space<vmem>>
        %dma_wait3A_175 = arith.constant 0 : i32
        %dma_wait3A_176 = arith.constant 0 : i32
        %dma_wait3A_177 = tpu.memref_slice %arg3[%dma_wait3A, %dma_wait3A_175, %dma_wait3A_176] : memref<2500x1x128xi32, #tpu.memory_space<hbm>> -> memref<1x1x128xi32, #tpu.memory_space<hbm>>
        %dma_wait3A_178 = tpu.memref_squeeze %dma_wait3A_177 : memref<1x1x128xi32, #tpu.memory_space<hbm>> -> memref<1x128xi32, #tpu.memory_space<hbm>>
        tpu.wait_dma2 semaphore(%arg11 : memref<!tpu.dma_semaphore, #tpu.memory_space<semaphore_mem>>) src(%dma_wait3A_178 : memref<1x128xi32, #tpu.memory_space<hbm>>) dst(%dma_wait3A_174 : memref<1x128xi32, #tpu.memory_space<vmem>>)
        %dma_wait3A_179 = arith.constant 1 : i32
        %dma_wait3A_180 = arith.constant 0 : i32
        %dma_wait3A_181 = arith.constant 0 : i32
        %dma_wait3A_182 = tpu.memref_slice %arg8[%dma_wait3A_179, %dma_wait3A_180, %dma_wait3A_181] : memref<2x128x128xf32, #tpu.memory_space<vmem>> -> memref<1x128x128xf32, #tpu.memory_space<vmem>>
        %dma_wait3A_183 = tpu.memref_squeeze %dma_wait3A_182 : memref<1x128x128xf32, #tpu.memory_space<vmem>> -> memref<128x128xf32, #tpu.memory_space<vmem>>
        %dma_wait3A_184 = arith.constant 0 : i32
        %dma_wait3A_185 = arith.constant 0 : i32
        %dma_wait3A_186 = tpu.memref_slice %arg2[%dma_wait3A_184, %dma_wait3A_185] : memref<320000x128xf32, #tpu.memory_space<hbm>> -> memref<128x128xf32, #tpu.memory_space<hbm>>
        %dma_wait3A_187 = arith.constant 0 : i32
        %dma_wait3A_188 = arith.constant 0 : i32
        %dma_wait3A_189 = tpu.memref_slice %arg8[%dma_wait3A_179, %dma_wait3A_187, %dma_wait3A_188] : memref<2x128x128xf32, #tpu.memory_space<vmem>> -> memref<1x128x128xf32, #tpu.memory_space<vmem>>
        %dma_wait3A_190 = tpu.memref_squeeze %dma_wait3A_189 : memref<1x128x128xf32, #tpu.memory_space<vmem>> -> memref<128x128xf32, #tpu.memory_space<vmem>>
        %dma_wait3A_191 = arith.constant 0 : i32
        %dma_wait3A_192 = arith.constant 0 : i32
        %dma_wait3A_193 = tpu.memref_slice %arg2[%dma_wait3A_191, %dma_wait3A_192] : memref<320000x128xf32, #tpu.memory_space<hbm>> -> memref<128x128xf32, #tpu.memory_space<hbm>>
        tpu.wait_dma2 semaphore(%arg13 : memref<!tpu.dma_semaphore, #tpu.memory_space<semaphore_mem>>) src(%dma_wait3A_193 : memref<128x128xf32, #tpu.memory_space<hbm>>) dst(%dma_wait3A_190 : memref<128x128xf32, #tpu.memory_space<vmem>>)
        %dma_start3A_194 = arith.constant 1 : i32
        %dma_start3A_195 = arith.constant 1 : i32
        %dma_start3A_196 = arith.constant 0 : i32
        %dma_start3A_197 = arith.constant 0 : i32
        %dma_start3A_198 = arith.constant 0 : i32
        %dma_start3A_199 = tpu.memref_slice %arg8[%dma_start3A_194, %dma_start3A_197, %dma_start3A_198] : memref<2x128x128xf32, #tpu.memory_space<vmem>> -> memref<1x128x128xf32, #tpu.memory_space<vmem>>
        %dma_start3A_200 = tpu.memref_squeeze %dma_start3A_199 : memref<1x128x128xf32, #tpu.memory_space<vmem>> -> memref<128x128xf32, #tpu.memory_space<vmem>>
        %dma_start3A_201 = arith.constant 0 : i32
        %dma_start3A_202 = tpu.memref_slice %arg7[%dma_start3A_195, %dma_start3A_196, %dma_start3A_201] : memref<2x1x128xi32, #tpu.memory_space<vmem>> -> memref<1x1x128xi32, #tpu.memory_space<vmem>>
        %dma_start3A_203 = tpu.memref_squeeze %dma_start3A_202 : memref<1x1x128xi32, #tpu.memory_space<vmem>> -> memref<128xi32, #tpu.memory_space<vmem>>
        %dma_start3A_204 = arith.constant 0 : i32
        %dma_start3A_205 = arith.constant 0 : i32
        %dma_start3A_206 = tpu.memref_slice %arg6[%dma_start3A_204, %dma_start3A_205] : memref<10000x128xf32, #tpu.memory_space<vmem_shared>> -> memref<10000x128xf32, #tpu.memory_space<vmem_shared>>
        tpu.enqueue_indirect_dma source(%dma_start3A_200 : memref<128x128xf32, #tpu.memory_space<vmem>>) target(%dma_start3A_206 : memref<10000x128xf32, #tpu.memory_space<vmem_shared>>) offsets(%dma_start3A_203 : memref<128xi32, #tpu.memory_space<vmem>>) semaphore(%arg15 : memref<!tpu.dma_semaphore, #tpu.memory_space<semaphore_mem>>) {add = true}
        %get3A = arith.constant 1 : i32
        %get3A_207 = arith.constant 0 : i32
        %get3A_208 = arith.index_cast %get3A : i32 to index
        %get3A_209 = arith.index_cast %get3A_207 : i32 to index
        %get3A_210 = arith.constant 0 : index
        %get3A_211 = tpu.vector_load %arg7[%get3A_208, %get3A_209, %get3A_210] {strides = array<i32>} : memref<2x1x128xi32, #tpu.memory_space<vmem>>, vector<16xi32>,
        tpu.vector_store_idx %arg9[%get3A_211], %broadcast_in_dim3A_121 {add = true} : memref<10000xf32, #tpu.memory_space<vmem>>[vector<16xi32>], vector<16xf32>,
        %get3A_212 = arith.constant 1 : i32
        %get3A_213 = arith.constant 0 : i32
        %get3A_214 = arith.index_cast %get3A_212 : i32 to index
        %get3A_215 = arith.index_cast %get3A_213 : i32 to index
        %get3A_216 = arith.constant 16 : index
        %get3A_217 = tpu.vector_load %arg7[%get3A_214, %get3A_215, %get3A_216] {strides = array<i32>} : memref<2x1x128xi32, #tpu.memory_space<vmem>>, vector<16xi32>,
        tpu.vector_store_idx %arg9[%get3A_217], %broadcast_in_dim3A_121 {add = true} : memref<10000xf32, #tpu.memory_space<vmem>>[vector<16xi32>], vector<16xf32>,
        %get3A_218 = arith.constant 1 : i32
        %get3A_219 = arith.constant 0 : i32
        %get3A_220 = arith.index_cast %get3A_218 : i32 to index
        %get3A_221 = arith.index_cast %get3A_219 : i32 to index
        %get3A_222 = arith.constant 32 : index
        %get3A_223 = tpu.vector_load %arg7[%get3A_220, %get3A_221, %get3A_222] {strides = array<i32>} : memref<2x1x128xi32, #tpu.memory_space<vmem>>, vector<16xi32>,
        tpu.vector_store_idx %arg9[%get3A_223], %broadcast_in_dim3A_121 {add = true} : memref<10000xf32, #tpu.memory_space<vmem>>[vector<16xi32>], vector<16xf32>,
        %get3A_224 = arith.constant 1 : i32
        %get3A_225 = arith.constant 0 : i32
        %get3A_226 = arith.index_cast %get3A_224 : i32 to index
        %get3A_227 = arith.index_cast %get3A_225 : i32 to index
        %get3A_228 = arith.constant 48 : index
        %get3A_229 = tpu.vector_load %arg7[%get3A_226, %get3A_227, %get3A_228] {strides = array<i32>} : memref<2x1x128xi32, #tpu.memory_space<vmem>>, vector<16xi32>,
        tpu.vector_store_idx %arg9[%get3A_229], %broadcast_in_dim3A_121 {add = true} : memref<10000xf32, #tpu.memory_space<vmem>>[vector<16xi32>], vector<16xf32>,
        %get3A_230 = arith.constant 1 : i32
        %get3A_231 = arith.constant 0 : i32
        %get3A_232 = arith.index_cast %get3A_230 : i32 to index
        %get3A_233 = arith.index_cast %get3A_231 : i32 to index
        %get3A_234 = arith.constant 64 : index
        %get3A_235 = tpu.vector_load %arg7[%get3A_232, %get3A_233, %get3A_234] {strides = array<i32>} : memref<2x1x128xi32, #tpu.memory_space<vmem>>, vector<16xi32>,
        tpu.vector_store_idx %arg9[%get3A_235], %broadcast_in_dim3A_121 {add = true} : memref<10000xf32, #tpu.memory_space<vmem>>[vector<16xi32>], vector<16xf32>,
        %get3A_236 = arith.constant 1 : i32
        %get3A_237 = arith.constant 0 : i32
        %get3A_238 = arith.index_cast %get3A_236 : i32 to index
        %get3A_239 = arith.index_cast %get3A_237 : i32 to index
        %get3A_240 = arith.constant 80 : index
        %get3A_241 = tpu.vector_load %arg7[%get3A_238, %get3A_239, %get3A_240] {strides = array<i32>} : memref<2x1x128xi32, #tpu.memory_space<vmem>>, vector<16xi32>,
        tpu.vector_store_idx %arg9[%get3A_241], %broadcast_in_dim3A_121 {add = true} : memref<10000xf32, #tpu.memory_space<vmem>>[vector<16xi32>], vector<16xf32>,
        %get3A_242 = arith.constant 1 : i32
        %get3A_243 = arith.constant 0 : i32
        %get3A_244 = arith.index_cast %get3A_242 : i32 to index
        %get3A_245 = arith.index_cast %get3A_243 : i32 to index
        %get3A_246 = arith.constant 96 : index
        %get3A_247 = tpu.vector_load %arg7[%get3A_244, %get3A_245, %get3A_246] {strides = array<i32>} : memref<2x1x128xi32, #tpu.memory_space<vmem>>, vector<16xi32>,
        tpu.vector_store_idx %arg9[%get3A_247], %broadcast_in_dim3A_121 {add = true} : memref<10000xf32, #tpu.memory_space<vmem>>[vector<16xi32>], vector<16xf32>,
        %get3A_248 = arith.constant 1 : i32
        %get3A_249 = arith.constant 0 : i32
        %get3A_250 = arith.index_cast %get3A_248 : i32 to index
        %get3A_251 = arith.index_cast %get3A_249 : i32 to index
        %get3A_252 = arith.constant 112 : index
        %get3A_253 = tpu.vector_load %arg7[%get3A_250, %get3A_251, %get3A_252] {strides = array<i32>} : memref<2x1x128xi32, #tpu.memory_space<vmem>>, vector<16xi32>,
        tpu.vector_store_idx %arg9[%get3A_253], %broadcast_in_dim3A_121 {add = true} : memref<10000xf32, #tpu.memory_space<vmem>>[vector<16xi32>], vector<16xf32>,
        %dma_wait3A_254 = arith.constant 1 : i32
        %dma_wait3A_255 = arith.constant 1 : i32
        %dma_wait3A_256 = arith.constant 0 : i32
        %dma_wait3A_257 = arith.constant 0 : i32
        %dma_wait3A_258 = arith.constant 0 : i32
        %dma_wait3A_259 = tpu.memref_slice %arg8[%dma_wait3A_254, %dma_wait3A_257, %dma_wait3A_258] : memref<2x128x128xf32, #tpu.memory_space<vmem>> -> memref<1x128x128xf32, #tpu.memory_space<vmem>>
        %dma_wait3A_260 = tpu.memref_squeeze %dma_wait3A_259 : memref<1x128x128xf32, #tpu.memory_space<vmem>> -> memref<128x128xf32, #tpu.memory_space<vmem>>
        %dma_wait3A_261 = arith.constant 0 : i32
        %dma_wait3A_262 = tpu.memref_slice %arg7[%dma_wait3A_255, %dma_wait3A_256, %dma_wait3A_261] : memref<2x1x128xi32, #tpu.memory_space<vmem>> -> memref<1x1x128xi32, #tpu.memory_space<vmem>>
        %dma_wait3A_263 = tpu.memref_squeeze %dma_wait3A_262 : memref<1x1x128xi32, #tpu.memory_space<vmem>> -> memref<128xi32, #tpu.memory_space<vmem>>
        %dma_wait3A_264 = arith.constant 0 : i32
        %dma_wait3A_265 = arith.constant 0 : i32
        %dma_wait3A_266 = tpu.memref_slice %arg6[%dma_wait3A_264, %dma_wait3A_265] : memref<10000x128xf32, #tpu.memory_space<vmem_shared>> -> memref<10000x128xf32, #tpu.memory_space<vmem_shared>>
        tpu.wait_indirect_dma semaphore(%arg15 : memref<!tpu.dma_semaphore, #tpu.memory_space<semaphore_mem>>) src(%dma_wait3A_260 : memref<128x128xf32, #tpu.memory_space<vmem>>) dst(%dma_wait3A_266 : memref<10000x128xf32, #tpu.memory_space<vmem_shared>>)
        %add3A_267 = arith.constant 2 : i32
        %add3A_268 = arith.addi %add3A_156, %add3A_267 : i32
        %lt3A_269 = arith.cmpi slt, %add3A_268, %add3A_7 : i32
        %convert_element_type3A_270 = arith.extui %lt3A_269 : i1 to i32
        %cond3A_271 = arith.constant 0 : i32
        %cond3A_272 = arith.cmpi ne, %convert_element_type3A_270, %cond3A_271 : i32
        scf.if %cond3A_272 {
          %add3A_273 = arith.constant 2 : i32
          %add3A_274 = arith.addi %add3A_156, %add3A_273 : i32
          %add3A_275 = arith.addi %add3A_11, %add3A_274 : i32
          %dma_start3A_276 = arith.constant 1 : i32
          %dma_start3A_277 = arith.constant 0 : i32
          %dma_start3A_278 = arith.constant 0 : i32
          %dma_start3A_279 = tpu.memref_slice %arg7[%dma_start3A_276, %dma_start3A_277, %dma_start3A_278] : memref<2x1x128xi32, #tpu.memory_space<vmem>> -> memref<1x1x128xi32, #tpu.memory_space<vmem>>
          %dma_start3A_280 = tpu.memref_squeeze %dma_start3A_279 : memref<1x1x128xi32, #tpu.memory_space<vmem>> -> memref<1x128xi32, #tpu.memory_space<vmem>>
          %dma_start3A_281 = arith.constant 0 : i32
          %dma_start3A_282 = arith.constant 0 : i32
          %dma_start3A_283 = tpu.memref_slice %arg3[%add3A_275, %dma_start3A_281, %dma_start3A_282] : memref<2500x1x128xi32, #tpu.memory_space<hbm>> -> memref<1x1x128xi32, #tpu.memory_space<hbm>>
          %dma_start3A_284 = tpu.memref_squeeze %dma_start3A_283 : memref<1x1x128xi32, #tpu.memory_space<hbm>> -> memref<1x128xi32, #tpu.memory_space<hbm>>
          %dma_start3A_285 = arith.constant 0 : i32
          %dma_start3A_286 = arith.constant 0 : i32
          %dma_start3A_287 = tpu.memref_slice %arg7[%dma_start3A_276, %dma_start3A_285, %dma_start3A_286] : memref<2x1x128xi32, #tpu.memory_space<vmem>> -> memref<1x1x128xi32, #tpu.memory_space<vmem>>
          %dma_start3A_288 = tpu.memref_squeeze %dma_start3A_287 : memref<1x1x128xi32, #tpu.memory_space<vmem>> -> memref<1x128xi32, #tpu.memory_space<vmem>>
          %dma_start3A_289 = arith.constant 0 : i32
          %dma_start3A_290 = arith.constant 0 : i32
          %dma_start3A_291 = tpu.memref_slice %arg3[%add3A_275, %dma_start3A_289, %dma_start3A_290] : memref<2500x1x128xi32, #tpu.memory_space<hbm>> -> memref<1x1x128xi32, #tpu.memory_space<hbm>>
          %dma_start3A_292 = tpu.memref_squeeze %dma_start3A_291 : memref<1x1x128xi32, #tpu.memory_space<hbm>> -> memref<1x128xi32, #tpu.memory_space<hbm>>
          tpu.enqueue_dma source(%dma_start3A_292 : memref<1x128xi32, #tpu.memory_space<hbm>>) target(%dma_start3A_288 : memref<1x128xi32, #tpu.memory_space<vmem>>) target_semaphore(%arg11 : memref<!tpu.dma_semaphore, #tpu.memory_space<semaphore_mem>>)
          %mul3A_293 = arith.constant 128 : i32
          %mul3A_294 = arith.muli %add3A_275, %mul3A_293 : i32
          %dma_start3A_295 = arith.constant 1 : i32
          %dma_start3A_296 = arith.constant 0 : i32
          %dma_start3A_297 = arith.constant 0 : i32
          %dma_start3A_298 = tpu.memref_slice %arg8[%dma_start3A_295, %dma_start3A_296, %dma_start3A_297] : memref<2x128x128xf32, #tpu.memory_space<vmem>> -> memref<1x128x128xf32, #tpu.memory_space<vmem>>
          %dma_start3A_299 = tpu.memref_squeeze %dma_start3A_298 : memref<1x128x128xf32, #tpu.memory_space<vmem>> -> memref<128x128xf32, #tpu.memory_space<vmem>>
          %dma_start3A_300 = arith.constant 0 : i32
          %dma_start3A_301 = tpu.memref_slice %arg2[%mul3A_294, %dma_start3A_300] : memref<320000x128xf32, #tpu.memory_space<hbm>> -> memref<128x128xf32, #tpu.memory_space<hbm>>
          %dma_start3A_302 = arith.constant 0 : i32
          %dma_start3A_303 = arith.constant 0 : i32
          %dma_start3A_304 = tpu.memref_slice %arg8[%dma_start3A_295, %dma_start3A_302, %dma_start3A_303] : memref<2x128x128xf32, #tpu.memory_space<vmem>> -> memref<1x128x128xf32, #tpu.memory_space<vmem>>
          %dma_start3A_305 = tpu.memref_squeeze %dma_start3A_304 : memref<1x128x128xf32, #tpu.memory_space<vmem>> -> memref<128x128xf32, #tpu.memory_space<vmem>>
          %dma_start3A_306 = arith.constant 0 : i32
          %dma_start3A_307 = tpu.memref_slice %arg2[%mul3A_294, %dma_start3A_306] : memref<320000x128xf32, #tpu.memory_space<hbm>> -> memref<128x128xf32, #tpu.memory_space<hbm>>
          tpu.enqueue_dma source(%dma_start3A_307 : memref<128x128xf32, #tpu.memory_space<hbm>>) target(%dma_start3A_305 : memref<128x128xf32, #tpu.memory_space<vmem>>) target_semaphore(%arg13 : memref<!tpu.dma_semaphore, #tpu.memory_space<semaphore_mem>>)
        } else {
        }
      } else {
      }
      %while3A_161 = arith.constant 0 : i32
      scf.yield %while3A_161 : i32
    }
    %while3A_136 = arith.constant 1 : i32
    %while3A_137 = scf.for %while3A_145 = %while3A_133 to %while3A_129 step %while3A_136 iter_args(%while3A_146 = %while3A_135) -> (i32)  : i32 {
      %mul3A_147 = arith.constant 2 : i32
      %mul3A_148 = arith.muli %mul3A_147, %while3A_145 : i32
      %lt3A_149 = arith.cmpi slt, %mul3A_148, %add3A_7 : i32
      %convert_element_type3A_150 = arith.extui %lt3A_149 : i1 to i32
      %cond3A_151 = arith.constant 0 : i32
      %cond3A_152 = arith.cmpi ne, %convert_element_type3A_150, %cond3A_151 : i32
      scf.if %cond3A_152 {
        %dma_wait3A = arith.constant 0 : i32
        %dma_wait3A_162 = arith.constant 0 : i32
        %dma_wait3A_163 = arith.constant 0 : i32
        %dma_wait3A_164 = arith.constant 0 : i32
        %dma_wait3A_165 = tpu.memref_slice %arg7[%dma_wait3A_162, %dma_wait3A_163, %dma_wait3A_164] : memref<2x1x128xi32, #tpu.memory_space<vmem>> -> memref<1x1x128xi32, #tpu.memory_space<vmem>>
        %dma_wait3A_166 = tpu.memref_squeeze %dma_wait3A_165 : memref<1x1x128xi32, #tpu.memory_space<vmem>> -> memref<1x128xi32, #tpu.memory_space<vmem>>
        %dma_wait3A_167 = arith.constant 0 : i32
        %dma_wait3A_168 = arith.constant 0 : i32
        %dma_wait3A_169 = tpu.memref_slice %arg3[%dma_wait3A, %dma_wait3A_167, %dma_wait3A_168] : memref<2500x1x128xi32, #tpu.memory_space<hbm>> -> memref<1x1x128xi32, #tpu.memory_space<hbm>>
        %dma_wait3A_170 = tpu.memref_squeeze %dma_wait3A_169 : memref<1x1x128xi32, #tpu.memory_space<hbm>> -> memref<1x128xi32, #tpu.memory_space<hbm>>
        %dma_wait3A_171 = arith.constant 0 : i32
        %dma_wait3A_172 = arith.constant 0 : i32
        %dma_wait3A_173 = tpu.memref_slice %arg7[%dma_wait3A_162, %dma_wait3A_171, %dma_wait3A_172] : memref<2x1x128xi32, #tpu.memory_space<vmem>> -> memref<1x1x128xi32, #tpu.memory_space<vmem>>
        %dma_wait3A_174 = tpu.memref_squeeze %dma_wait3A_173 : memref<1x1x128xi32, #tpu.memory_space<vmem>> -> memref<1x128xi32, #tpu.memory_space<vmem>>
        %dma_wait3A_175 = arith.constant 0 : i32
        %dma_wait3A_176 = arith.constant 0 : i32
        %dma_wait3A_177 = tpu.memref_slice %arg3[%dma_wait3A, %dma_wait3A_175, %dma_wait3A_176] : memref<2500x1x128xi32, #tpu.memory_space<hbm>> -> memref<1x1x128xi32, #tpu.memory_space<hbm>>
        %dma_wait3A_178 = tpu.memref_squeeze %dma_wait3A_177 : memref<1x1x128xi32, #tpu.memory_space<hbm>> -> memref<1x128xi32, #tpu.memory_space<hbm>>
        tpu.wait_dma2 semaphore(%arg10 : memref<!tpu.dma_semaphore, #tpu.memory_space<semaphore_mem>>) src(%dma_wait3A_178 : memref<1x128xi32, #tpu.memory_space<hbm>>) dst(%dma_wait3A_174 : memref<1x128xi32, #tpu.memory_space<vmem>>)
        %dma_wait3A_179 = arith.constant 0 : i32
        %dma_wait3A_180 = arith.constant 0 : i32
        %dma_wait3A_181 = arith.constant 0 : i32
        %dma_wait3A_182 = tpu.memref_slice %arg8[%dma_wait3A_179, %dma_wait3A_180, %dma_wait3A_181] : memref<2x128x128xf32, #tpu.memory_space<vmem>> -> memref<1x128x128xf32, #tpu.memory_space<vmem>>
        %dma_wait3A_183 = tpu.memref_squeeze %dma_wait3A_182 : memref<1x128x128xf32, #tpu.memory_space<vmem>> -> memref<128x128xf32, #tpu.memory_space<vmem>>
        %dma_wait3A_184 = arith.constant 0 : i32
        %dma_wait3A_185 = arith.constant 0 : i32
        %dma_wait3A_186 = tpu.memref_slice %arg2[%dma_wait3A_184, %dma_wait3A_185] : memref<320000x128xf32, #tpu.memory_space<hbm>> -> memref<128x128xf32, #tpu.memory_space<hbm>>
        %dma_wait3A_187 = arith.constant 0 : i32
        %dma_wait3A_188 = arith.constant 0 : i32
        %dma_wait3A_189 = tpu.memref_slice %arg8[%dma_wait3A_179, %dma_wait3A_187, %dma_wait3A_188] : memref<2x128x128xf32, #tpu.memory_space<vmem>> -> memref<1x128x128xf32, #tpu.memory_space<vmem>>
        %dma_wait3A_190 = tpu.memref_squeeze %dma_wait3A_189 : memref<1x128x128xf32, #tpu.memory_space<vmem>> -> memref<128x128xf32, #tpu.memory_space<vmem>>
        %dma_wait3A_191 = arith.constant 0 : i32
        %dma_wait3A_192 = arith.constant 0 : i32
        %dma_wait3A_193 = tpu.memref_slice %arg2[%dma_wait3A_191, %dma_wait3A_192] : memref<320000x128xf32, #tpu.memory_space<hbm>> -> memref<128x128xf32, #tpu.memory_space<hbm>>
        tpu.wait_dma2 semaphore(%arg12 : memref<!tpu.dma_semaphore, #tpu.memory_space<semaphore_mem>>) src(%dma_wait3A_193 : memref<128x128xf32, #tpu.memory_space<hbm>>) dst(%dma_wait3A_190 : memref<128x128xf32, #tpu.memory_space<vmem>>)
        %dma_start3A_194 = arith.constant 0 : i32
        %dma_start3A_195 = arith.constant 0 : i32
        %dma_start3A_196 = arith.constant 0 : i32
        %dma_start3A_197 = arith.constant 0 : i32
        %dma_start3A_198 = arith.constant 0 : i32
        %dma_start3A_199 = tpu.memref_slice %arg8[%dma_start3A_194, %dma_start3A_197, %dma_start3A_198] : memref<2x128x128xf32, #tpu.memory_space<vmem>> -> memref<1x128x128xf32, #tpu.memory_space<vmem>>
        %dma_start3A_200 = tpu.memref_squeeze %dma_start3A_199 : memref<1x128x128xf32, #tpu.memory_space<vmem>> -> memref<128x128xf32, #tpu.memory_space<vmem>>
        %dma_start3A_201 = arith.constant 0 : i32
        %dma_start3A_202 = tpu.memref_slice %arg7[%dma_start3A_195, %dma_start3A_196, %dma_start3A_201] : memref<2x1x128xi32, #tpu.memory_space<vmem>> -> memref<1x1x128xi32, #tpu.memory_space<vmem>>
        %dma_start3A_203 = tpu.memref_squeeze %dma_start3A_202 : memref<1x1x128xi32, #tpu.memory_space<vmem>> -> memref<128xi32, #tpu.memory_space<vmem>>
        %dma_start3A_204 = arith.constant 0 : i32
        %dma_start3A_205 = arith.constant 0 : i32
        %dma_start3A_206 = tpu.memref_slice %arg6[%dma_start3A_204, %dma_start3A_205] : memref<10000x128xf32, #tpu.memory_space<vmem_shared>> -> memref<10000x128xf32, #tpu.memory_space<vmem_shared>>
        tpu.enqueue_indirect_dma source(%dma_start3A_200 : memref<128x128xf32, #tpu.memory_space<vmem>>) target(%dma_start3A_206 : memref<10000x128xf32, #tpu.memory_space<vmem_shared>>) offsets(%dma_start3A_203 : memref<128xi32, #tpu.memory_space<vmem>>) semaphore(%arg14 : memref<!tpu.dma_semaphore, #tpu.memory_space<semaphore_mem>>) {add = true}
        %get3A = arith.constant 0 : i32
        %get3A_207 = arith.constant 0 : i32
        %get3A_208 = arith.index_cast %get3A : i32 to index
        %get3A_209 = arith.index_cast %get3A_207 : i32 to index
        %get3A_210 = arith.constant 0 : index
        %get3A_211 = tpu.vector_load %arg7[%get3A_208, %get3A_209, %get3A_210] {strides = array<i32>} : memref<2x1x128xi32, #tpu.memory_space<vmem>>, vector<16xi32>,
        tpu.vector_store_idx %arg9[%get3A_211], %broadcast_in_dim3A_121 {add = true} : memref<10000xf32, #tpu.memory_space<vmem>>[vector<16xi32>], vector<16xf32>,
        %get3A_212 = arith.constant 0 : i32
        %get3A_213 = arith.constant 0 : i32
        %get3A_214 = arith.index_cast %get3A_212 : i32 to index
        %get3A_215 = arith.index_cast %get3A_213 : i32 to index
        %get3A_216 = arith.constant 16 : index
        %get3A_217 = tpu.vector_load %arg7[%get3A_214, %get3A_215, %get3A_216] {strides = array<i32>} : memref<2x1x128xi32, #tpu.memory_space<vmem>>, vector<16xi32>,
        tpu.vector_store_idx %arg9[%get3A_217], %broadcast_in_dim3A_121 {add = true} : memref<10000xf32, #tpu.memory_space<vmem>>[vector<16xi32>], vector<16xf32>,
        %get3A_218 = arith.constant 0 : i32
        %get3A_219 = arith.constant 0 : i32
        %get3A_220 = arith.index_cast %get3A_218 : i32 to index
        %get3A_221 = arith.index_cast %get3A_219 : i32 to index
        %get3A_222 = arith.constant 32 : index
        %get3A_223 = tpu.vector_load %arg7[%get3A_220, %get3A_221, %get3A_222] {strides = array<i32>} : memref<2x1x128xi32, #tpu.memory_space<vmem>>, vector<16xi32>,
        tpu.vector_store_idx %arg9[%get3A_223], %broadcast_in_dim3A_121 {add = true} : memref<10000xf32, #tpu.memory_space<vmem>>[vector<16xi32>], vector<16xf32>,
        %get3A_224 = arith.constant 0 : i32
        %get3A_225 = arith.constant 0 : i32
        %get3A_226 = arith.index_cast %get3A_224 : i32 to index
        %get3A_227 = arith.index_cast %get3A_225 : i32 to index
        %get3A_228 = arith.constant 48 : index
        %get3A_229 = tpu.vector_load %arg7[%get3A_226, %get3A_227, %get3A_228] {strides = array<i32>} : memref<2x1x128xi32, #tpu.memory_space<vmem>>, vector<16xi32>,
        tpu.vector_store_idx %arg9[%get3A_229], %broadcast_in_dim3A_121 {add = true} : memref<10000xf32, #tpu.memory_space<vmem>>[vector<16xi32>], vector<16xf32>,
        %get3A_230 = arith.constant 0 : i32
        %get3A_231 = arith.constant 0 : i32
        %get3A_232 = arith.index_cast %get3A_230 : i32 to index
        %get3A_233 = arith.index_cast %get3A_231 : i32 to index
        %get3A_234 = arith.constant 64 : index
        %get3A_235 = tpu.vector_load %arg7[%get3A_232, %get3A_233, %get3A_234] {strides = array<i32>} : memref<2x1x128xi32, #tpu.memory_space<vmem>>, vector<16xi32>,
        tpu.vector_store_idx %arg9[%get3A_235], %broadcast_in_dim3A_121 {add = true} : memref<10000xf32, #tpu.memory_space<vmem>>[vector<16xi32>], vector<16xf32>,
        %get3A_236 = arith.constant 0 : i32
        %get3A_237 = arith.constant 0 : i32
        %get3A_238 = arith.index_cast %get3A_236 : i32 to index
        %get3A_239 = arith.index_cast %get3A_237 : i32 to index
        %get3A_240 = arith.constant 80 : index
        %get3A_241 = tpu.vector_load %arg7[%get3A_238, %get3A_239, %get3A_240] {strides = array<i32>} : memref<2x1x128xi32, #tpu.memory_space<vmem>>, vector<16xi32>,
        tpu.vector_store_idx %arg9[%get3A_241], %broadcast_in_dim3A_121 {add = true} : memref<10000xf32, #tpu.memory_space<vmem>>[vector<16xi32>], vector<16xf32>,
        %get3A_242 = arith.constant 0 : i32
        %get3A_243 = arith.constant 0 : i32
        %get3A_244 = arith.index_cast %get3A_242 : i32 to index
        %get3A_245 = arith.index_cast %get3A_243 : i32 to index
        %get3A_246 = arith.constant 96 : index
        %get3A_247 = tpu.vector_load %arg7[%get3A_244, %get3A_245, %get3A_246] {strides = array<i32>} : memref<2x1x128xi32, #tpu.memory_space<vmem>>, vector<16xi32>,
        tpu.vector_store_idx %arg9[%get3A_247], %broadcast_in_dim3A_121 {add = true} : memref<10000xf32, #tpu.memory_space<vmem>>[vector<16xi32>], vector<16xf32>,
        %get3A_248 = arith.constant 0 : i32
        %get3A_249 = arith.constant 0 : i32
        %get3A_250 = arith.index_cast %get3A_248 : i32 to index
        %get3A_251 = arith.index_cast %get3A_249 : i32 to index
        %get3A_252 = arith.constant 112 : index
        %get3A_253 = tpu.vector_load %arg7[%get3A_250, %get3A_251, %get3A_252] {strides = array<i32>} : memref<2x1x128xi32, #tpu.memory_space<vmem>>, vector<16xi32>,
        tpu.vector_store_idx %arg9[%get3A_253], %broadcast_in_dim3A_121 {add = true} : memref<10000xf32, #tpu.memory_space<vmem>>[vector<16xi32>], vector<16xf32>,
        %dma_wait3A_254 = arith.constant 0 : i32
        %dma_wait3A_255 = arith.constant 0 : i32
        %dma_wait3A_256 = arith.constant 0 : i32
        %dma_wait3A_257 = arith.constant 0 : i32
        %dma_wait3A_258 = arith.constant 0 : i32
        %dma_wait3A_259 = tpu.memref_slice %arg8[%dma_wait3A_254, %dma_wait3A_257, %dma_wait3A_258] : memref<2x128x128xf32, #tpu.memory_space<vmem>> -> memref<1x128x128xf32, #tpu.memory_space<vmem>>
        %dma_wait3A_260 = tpu.memref_squeeze %dma_wait3A_259 : memref<1x128x128xf32, #tpu.memory_space<vmem>> -> memref<128x128xf32, #tpu.memory_space<vmem>>
        %dma_wait3A_261 = arith.constant 0 : i32
        %dma_wait3A_262 = tpu.memref_slice %arg7[%dma_wait3A_255, %dma_wait3A_256, %dma_wait3A_261] : memref<2x1x128xi32, #tpu.memory_space<vmem>> -> memref<1x1x128xi32, #tpu.memory_space<vmem>>
        %dma_wait3A_263 = tpu.memref_squeeze %dma_wait3A_262 : memref<1x1x128xi32, #tpu.memory_space<vmem>> -> memref<128xi32, #tpu.memory_space<vmem>>
        %dma_wait3A_264 = arith.constant 0 : i32
        %dma_wait3A_265 = arith.constant 0 : i32
        %dma_wait3A_266 = tpu.memref_slice %arg6[%dma_wait3A_264, %dma_wait3A_265] : memref<10000x128xf32, #tpu.memory_space<vmem_shared>> -> memref<10000x128xf32, #tpu.memory_space<vmem_shared>>
        tpu.wait_indirect_dma semaphore(%arg14 : memref<!tpu.dma_semaphore, #tpu.memory_space<semaphore_mem>>) src(%dma_wait3A_260 : memref<128x128xf32, #tpu.memory_space<vmem>>) dst(%dma_wait3A_266 : memref<10000x128xf32, #tpu.memory_space<vmem_shared>>)
        %add3A_267 = arith.constant 2 : i32
        %add3A_268 = arith.addi %mul3A_148, %add3A_267 : i32
        %lt3A_269 = arith.cmpi slt, %add3A_268, %add3A_7 : i32
        %convert_element_type3A_270 = arith.extui %lt3A_269 : i1 to i32
        %cond3A_271 = arith.constant 0 : i32
        %cond3A_272 = arith.cmpi ne, %convert_element_type3A_270, %cond3A_271 : i32
        scf.if %cond3A_272 {
          %add3A_273 = arith.constant 2 : i32
          %add3A_274 = arith.addi %mul3A_148, %add3A_273 : i32
          %add3A_275 = arith.addi %add3A_11, %add3A_274 : i32
          %dma_start3A_276 = arith.constant 0 : i32
          %dma_start3A_277 = arith.constant 0 : i32
          %dma_start3A_278 = arith.constant 0 : i32
          %dma_start3A_279 = tpu.memref_slice %arg7[%dma_start3A_276, %dma_start3A_277, %dma_start3A_278] : memref<2x1x128xi32, #tpu.memory_space<vmem>> -> memref<1x1x128xi32, #tpu.memory_space<vmem>>
          %dma_start3A_280 = tpu.memref_squeeze %dma_start3A_279 : memref<1x1x128xi32, #tpu.memory_space<vmem>> -> memref<1x128xi32, #tpu.memory_space<vmem>>
          %dma_start3A_281 = arith.constant 0 : i32
          %dma_start3A_282 = arith.constant 0 : i32
          %dma_start3A_283 = tpu.memref_slice %arg3[%add3A_275, %dma_start3A_281, %dma_start3A_282] : memref<2500x1x128xi32, #tpu.memory_space<hbm>> -> memref<1x1x128xi32, #tpu.memory_space<hbm>>
          %dma_start3A_284 = tpu.memref_squeeze %dma_start3A_283 : memref<1x1x128xi32, #tpu.memory_space<hbm>> -> memref<1x128xi32, #tpu.memory_space<hbm>>
          %dma_start3A_285 = arith.constant 0 : i32
          %dma_start3A_286 = arith.constant 0 : i32
          %dma_start3A_287 = tpu.memref_slice %arg7[%dma_start3A_276, %dma_start3A_285, %dma_start3A_286] : memref<2x1x128xi32, #tpu.memory_space<vmem>> -> memref<1x1x128xi32, #tpu.memory_space<vmem>>
          %dma_start3A_288 = tpu.memref_squeeze %dma_start3A_287 : memref<1x1x128xi32, #tpu.memory_space<vmem>> -> memref<1x128xi32, #tpu.memory_space<vmem>>
          %dma_start3A_289 = arith.constant 0 : i32
          %dma_start3A_290 = arith.constant 0 : i32
          %dma_start3A_291 = tpu.memref_slice %arg3[%add3A_275, %dma_start3A_289, %dma_start3A_290] : memref<2500x1x128xi32, #tpu.memory_space<hbm>> -> memref<1x1x128xi32, #tpu.memory_space<hbm>>
          %dma_start3A_292 = tpu.memref_squeeze %dma_start3A_291 : memref<1x1x128xi32, #tpu.memory_space<hbm>> -> memref<1x128xi32, #tpu.memory_space<hbm>>
          tpu.enqueue_dma source(%dma_start3A_292 : memref<1x128xi32, #tpu.memory_space<hbm>>) target(%dma_start3A_288 : memref<1x128xi32, #tpu.memory_space<vmem>>) target_semaphore(%arg10 : memref<!tpu.dma_semaphore, #tpu.memory_space<semaphore_mem>>)
          %mul3A_293 = arith.constant 128 : i32
          %mul3A_294 = arith.muli %add3A_275, %mul3A_293 : i32
          %dma_start3A_295 = arith.constant 0 : i32
          %dma_start3A_296 = arith.constant 0 : i32
          %dma_start3A_297 = arith.constant 0 : i32
          %dma_start3A_298 = tpu.memref_slice %arg8[%dma_start3A_295, %dma_start3A_296, %dma_start3A_297] : memref<2x128x128xf32, #tpu.memory_space<vmem>> -> memref<1x128x128xf32, #tpu.memory_space<vmem>>
          %dma_start3A_299 = tpu.memref_squeeze %dma_start3A_298 : memref<1x128x128xf32, #tpu.memory_space<vmem>> -> memref<128x128xf32, #tpu.memory_space<vmem>>
          %dma_start3A_300 = arith.constant 0 : i32
          %dma_start3A_301 = tpu.memref_slice %arg2[%mul3A_294, %dma_start3A_300] : memref<320000x128xf32, #tpu.memory_space<hbm>> -> memref<128x128xf32, #tpu.memory_space<hbm>>
          %dma_start3A_302 = arith.constant 0 : i32
          %dma_start3A_303 = arith.constant 0 : i32
          %dma_start3A_304 = tpu.memref_slice %arg8[%dma_start3A_295, %dma_start3A_302, %dma_start3A_303] : memref<2x128x128xf32, #tpu.memory_space<vmem>> -> memref<1x128x128xf32, #tpu.memory_space<vmem>>
          %dma_start3A_305 = tpu.memref_squeeze %dma_start3A_304 : memref<1x128x128xf32, #tpu.memory_space<vmem>> -> memref<128x128xf32, #tpu.memory_space<vmem>>
          %dma_start3A_306 = arith.constant 0 : i32
          %dma_start3A_307 = tpu.memref_slice %arg2[%mul3A_294, %dma_start3A_306] : memref<320000x128xf32, #tpu.memory_space<hbm>> -> memref<128x128xf32, #tpu.memory_space<hbm>>
          tpu.enqueue_dma source(%dma_start3A_307 : memref<128x128xf32, #tpu.memory_space<hbm>>) target(%dma_start3A_305 : memref<128x128xf32, #tpu.memory_space<vmem>>) target_semaphore(%arg12 : memref<!tpu.dma_semaphore, #tpu.memory_space<semaphore_mem>>)
        } else {
        }
      } else {
      }
      %mul3A_153 = arith.constant 2 : i32
      %mul3A_154 = arith.muli %mul3A_153, %while3A_145 : i32
      %add3A_155 = arith.constant 1 : i32
      %add3A_156 = arith.addi %mul3A_154, %add3A_155 : i32
      %lt3A_157 = arith.cmpi slt, %add3A_156, %add3A_7 : i32
      %convert_element_type3A_158 = arith.extui %lt3A_157 : i1 to i32
      %cond3A_159 = arith.constant 0 : i32
      %cond3A_160 = arith.cmpi ne, %convert_element_type3A_158, %cond3A_159 : i32
      scf.if %cond3A_160 {
        %dma_wait3A = arith.constant 0 : i32
        %dma_wait3A_162 = arith.constant 1 : i32
        %dma_wait3A_163 = arith.constant 0 : i32
        %dma_wait3A_164 = arith.constant 0 : i32
        %dma_wait3A_165 = tpu.memref_slice %arg7[%dma_wait3A_162, %dma_wait3A_163, %dma_wait3A_164] : memref<2x1x128xi32, #tpu.memory_space<vmem>> -> memref<1x1x128xi32, #tpu.memory_space<vmem>>
        %dma_wait3A_166 = tpu.memref_squeeze %dma_wait3A_165 : memref<1x1x128xi32, #tpu.memory_space<vmem>> -> memref<1x128xi32, #tpu.memory_space<vmem>>
        %dma_wait3A_167 = arith.constant 0 : i32
        %dma_wait3A_168 = arith.constant 0 : i32
        %dma_wait3A_169 = tpu.memref_slice %arg3[%dma_wait3A, %dma_wait3A_167, %dma_wait3A_168] : memref<2500x1x128xi32, #tpu.memory_space<hbm>> -> memref<1x1x128xi32, #tpu.memory_space<hbm>>
        %dma_wait3A_170 = tpu.memref_squeeze %dma_wait3A_169 : memref<1x1x128xi32, #tpu.memory_space<hbm>> -> memref<1x128xi32, #tpu.memory_space<hbm>>
        %dma_wait3A_171 = arith.constant 0 : i32
        %dma_wait3A_172 = arith.constant 0 : i32
        %dma_wait3A_173 = tpu.memref_slice %arg7[%dma_wait3A_162, %dma_wait3A_171, %dma_wait3A_172] : memref<2x1x128xi32, #tpu.memory_space<vmem>> -> memref<1x1x128xi32, #tpu.memory_space<vmem>>
        %dma_wait3A_174 = tpu.memref_squeeze %dma_wait3A_173 : memref<1x1x128xi32, #tpu.memory_space<vmem>> -> memref<1x128xi32, #tpu.memory_space<vmem>>
        %dma_wait3A_175 = arith.constant 0 : i32
        %dma_wait3A_176 = arith.constant 0 : i32
        %dma_wait3A_177 = tpu.memref_slice %arg3[%dma_wait3A, %dma_wait3A_175, %dma_wait3A_176] : memref<2500x1x128xi32, #tpu.memory_space<hbm>> -> memref<1x1x128xi32, #tpu.memory_space<hbm>>
        %dma_wait3A_178 = tpu.memref_squeeze %dma_wait3A_177 : memref<1x1x128xi32, #tpu.memory_space<hbm>> -> memref<1x128xi32, #tpu.memory_space<hbm>>
        tpu.wait_dma2 semaphore(%arg11 : memref<!tpu.dma_semaphore, #tpu.memory_space<semaphore_mem>>) src(%dma_wait3A_178 : memref<1x128xi32, #tpu.memory_space<hbm>>) dst(%dma_wait3A_174 : memref<1x128xi32, #tpu.memory_space<vmem>>)
        %dma_wait3A_179 = arith.constant 1 : i32
        %dma_wait3A_180 = arith.constant 0 : i32
        %dma_wait3A_181 = arith.constant 0 : i32
        %dma_wait3A_182 = tpu.memref_slice %arg8[%dma_wait3A_179, %dma_wait3A_180, %dma_wait3A_181] : memref<2x128x128xf32, #tpu.memory_space<vmem>> -> memref<1x128x128xf32, #tpu.memory_space<vmem>>
        %dma_wait3A_183 = tpu.memref_squeeze %dma_wait3A_182 : memref<1x128x128xf32, #tpu.memory_space<vmem>> -> memref<128x128xf32, #tpu.memory_space<vmem>>
        %dma_wait3A_184 = arith.constant 0 : i32
        %dma_wait3A_185 = arith.constant 0 : i32
        %dma_wait3A_186 = tpu.memref_slice %arg2[%dma_wait3A_184, %dma_wait3A_185] : memref<320000x128xf32, #tpu.memory_space<hbm>> -> memref<128x128xf32, #tpu.memory_space<hbm>>
        %dma_wait3A_187 = arith.constant 0 : i32
        %dma_wait3A_188 = arith.constant 0 : i32
        %dma_wait3A_189 = tpu.memref_slice %arg8[%dma_wait3A_179, %dma_wait3A_187, %dma_wait3A_188] : memref<2x128x128xf32, #tpu.memory_space<vmem>> -> memref<1x128x128xf32, #tpu.memory_space<vmem>>
        %dma_wait3A_190 = tpu.memref_squeeze %dma_wait3A_189 : memref<1x128x128xf32, #tpu.memory_space<vmem>> -> memref<128x128xf32, #tpu.memory_space<vmem>>
        %dma_wait3A_191 = arith.constant 0 : i32
        %dma_wait3A_192 = arith.constant 0 : i32
        %dma_wait3A_193 = tpu.memref_slice %arg2[%dma_wait3A_191, %dma_wait3A_192] : memref<320000x128xf32, #tpu.memory_space<hbm>> -> memref<128x128xf32, #tpu.memory_space<hbm>>
        tpu.wait_dma2 semaphore(%arg13 : memref<!tpu.dma_semaphore, #tpu.memory_space<semaphore_mem>>) src(%dma_wait3A_193 : memref<128x128xf32, #tpu.memory_space<hbm>>) dst(%dma_wait3A_190 : memref<128x128xf32, #tpu.memory_space<vmem>>)
        %dma_start3A_194 = arith.constant 1 : i32
        %dma_start3A_195 = arith.constant 1 : i32
        %dma_start3A_196 = arith.constant 0 : i32
        %dma_start3A_197 = arith.constant 0 : i32
        %dma_start3A_198 = arith.constant 0 : i32
        %dma_start3A_199 = tpu.memref_slice %arg8[%dma_start3A_194, %dma_start3A_197, %dma_start3A_198] : memref<2x128x128xf32, #tpu.memory_space<vmem>> -> memref<1x128x128xf32, #tpu.memory_space<vmem>>
        %dma_start3A_200 = tpu.memref_squeeze %dma_start3A_199 : memref<1x128x128xf32, #tpu.memory_space<vmem>> -> memref<128x128xf32, #tpu.memory_space<vmem>>
        %dma_start3A_201 = arith.constant 0 : i32
        %dma_start3A_202 = tpu.memref_slice %arg7[%dma_start3A_195, %dma_start3A_196, %dma_start3A_201] : memref<2x1x128xi32, #tpu.memory_space<vmem>> -> memref<1x1x128xi32, #tpu.memory_space<vmem>>
        %dma_start3A_203 = tpu.memref_squeeze %dma_start3A_202 : memref<1x1x128xi32, #tpu.memory_space<vmem>> -> memref<128xi32, #tpu.memory_space<vmem>>
        %dma_start3A_204 = arith.constant 0 : i32
        %dma_start3A_205 = arith.constant 0 : i32
        %dma_start3A_206 = tpu.memref_slice %arg6[%dma_start3A_204, %dma_start3A_205] : memref<10000x128xf32, #tpu.memory_space<vmem_shared>> -> memref<10000x128xf32, #tpu.memory_space<vmem_shared>>
        tpu.enqueue_indirect_dma source(%dma_start3A_200 : memref<128x128xf32, #tpu.memory_space<vmem>>) target(%dma_start3A_206 : memref<10000x128xf32, #tpu.memory_space<vmem_shared>>) offsets(%dma_start3A_203 : memref<128xi32, #tpu.memory_space<vmem>>) semaphore(%arg15 : memref<!tpu.dma_semaphore, #tpu.memory_space<semaphore_mem>>) {add = true}
        %get3A = arith.constant 1 : i32
        %get3A_207 = arith.constant 0 : i32
        %get3A_208 = arith.index_cast %get3A : i32 to index
        %get3A_209 = arith.index_cast %get3A_207 : i32 to index
        %get3A_210 = arith.constant 0 : index
        %get3A_211 = tpu.vector_load %arg7[%get3A_208, %get3A_209, %get3A_210] {strides = array<i32>} : memref<2x1x128xi32, #tpu.memory_space<vmem>>, vector<16xi32>,
        tpu.vector_store_idx %arg9[%get3A_211], %broadcast_in_dim3A_121 {add = true} : memref<10000xf32, #tpu.memory_space<vmem>>[vector<16xi32>], vector<16xf32>,
        %get3A_212 = arith.constant 1 : i32
        %get3A_213 = arith.constant 0 : i32
        %get3A_214 = arith.index_cast %get3A_212 : i32 to index
        %get3A_215 = arith.index_cast %get3A_213 : i32 to index
        %get3A_216 = arith.constant 16 : index
        %get3A_217 = tpu.vector_load %arg7[%get3A_214, %get3A_215, %get3A_216] {strides = array<i32>} : memref<2x1x128xi32, #tpu.memory_space<vmem>>, vector<16xi32>,
        tpu.vector_store_idx %arg9[%get3A_217], %broadcast_in_dim3A_121 {add = true} : memref<10000xf32, #tpu.memory_space<vmem>>[vector<16xi32>], vector<16xf32>,
        %get3A_218 = arith.constant 1 : i32
        %get3A_219 = arith.constant 0 : i32
        %get3A_220 = arith.index_cast %get3A_218 : i32 to index
        %get3A_221 = arith.index_cast %get3A_219 : i32 to index
        %get3A_222 = arith.constant 32 : index
        %get3A_223 = tpu.vector_load %arg7[%get3A_220, %get3A_221, %get3A_222] {strides = array<i32>} : memref<2x1x128xi32, #tpu.memory_space<vmem>>, vector<16xi32>,
        tpu.vector_store_idx %arg9[%get3A_223], %broadcast_in_dim3A_121 {add = true} : memref<10000xf32, #tpu.memory_space<vmem>>[vector<16xi32>], vector<16xf32>,
        %get3A_224 = arith.constant 1 : i32
        %get3A_225 = arith.constant 0 : i32
        %get3A_226 = arith.index_cast %get3A_224 : i32 to index
        %get3A_227 = arith.index_cast %get3A_225 : i32 to index
        %get3A_228 = arith.constant 48 : index
        %get3A_229 = tpu.vector_load %arg7[%get3A_226, %get3A_227, %get3A_228] {strides = array<i32>} : memref<2x1x128xi32, #tpu.memory_space<vmem>>, vector<16xi32>,
        tpu.vector_store_idx %arg9[%get3A_229], %broadcast_in_dim3A_121 {add = true} : memref<10000xf32, #tpu.memory_space<vmem>>[vector<16xi32>], vector<16xf32>,
        %get3A_230 = arith.constant 1 : i32
        %get3A_231 = arith.constant 0 : i32
        %get3A_232 = arith.index_cast %get3A_230 : i32 to index
        %get3A_233 = arith.index_cast %get3A_231 : i32 to index
        %get3A_234 = arith.constant 64 : index
        %get3A_235 = tpu.vector_load %arg7[%get3A_232, %get3A_233, %get3A_234] {strides = array<i32>} : memref<2x1x128xi32, #tpu.memory_space<vmem>>, vector<16xi32>,
        tpu.vector_store_idx %arg9[%get3A_235], %broadcast_in_dim3A_121 {add = true} : memref<10000xf32, #tpu.memory_space<vmem>>[vector<16xi32>], vector<16xf32>,
        %get3A_236 = arith.constant 1 : i32
        %get3A_237 = arith.constant 0 : i32
        %get3A_238 = arith.index_cast %get3A_236 : i32 to index
        %get3A_239 = arith.index_cast %get3A_237 : i32 to index
        %get3A_240 = arith.constant 80 : index
        %get3A_241 = tpu.vector_load %arg7[%get3A_238, %get3A_239, %get3A_240] {strides = array<i32>} : memref<2x1x128xi32, #tpu.memory_space<vmem>>, vector<16xi32>,
        tpu.vector_store_idx %arg9[%get3A_241], %broadcast_in_dim3A_121 {add = true} : memref<10000xf32, #tpu.memory_space<vmem>>[vector<16xi32>], vector<16xf32>,
        %get3A_242 = arith.constant 1 : i32
        %get3A_243 = arith.constant 0 : i32
        %get3A_244 = arith.index_cast %get3A_242 : i32 to index
        %get3A_245 = arith.index_cast %get3A_243 : i32 to index
        %get3A_246 = arith.constant 96 : index
        %get3A_247 = tpu.vector_load %arg7[%get3A_244, %get3A_245, %get3A_246] {strides = array<i32>} : memref<2x1x128xi32, #tpu.memory_space<vmem>>, vector<16xi32>,
        tpu.vector_store_idx %arg9[%get3A_247], %broadcast_in_dim3A_121 {add = true} : memref<10000xf32, #tpu.memory_space<vmem>>[vector<16xi32>], vector<16xf32>,
        %get3A_248 = arith.constant 1 : i32
        %get3A_249 = arith.constant 0 : i32
        %get3A_250 = arith.index_cast %get3A_248 : i32 to index
        %get3A_251 = arith.index_cast %get3A_249 : i32 to index
        %get3A_252 = arith.constant 112 : index
        %get3A_253 = tpu.vector_load %arg7[%get3A_250, %get3A_251, %get3A_252] {strides = array<i32>} : memref<2x1x128xi32, #tpu.memory_space<vmem>>, vector<16xi32>,
        tpu.vector_store_idx %arg9[%get3A_253], %broadcast_in_dim3A_121 {add = true} : memref<10000xf32, #tpu.memory_space<vmem>>[vector<16xi32>], vector<16xf32>,
        %dma_wait3A_254 = arith.constant 1 : i32
        %dma_wait3A_255 = arith.constant 1 : i32
        %dma_wait3A_256 = arith.constant 0 : i32
        %dma_wait3A_257 = arith.constant 0 : i32
        %dma_wait3A_258 = arith.constant 0 : i32
        %dma_wait3A_259 = tpu.memref_slice %arg8[%dma_wait3A_254, %dma_wait3A_257, %dma_wait3A_258] : memref<2x128x128xf32, #tpu.memory_space<vmem>> -> memref<1x128x128xf32, #tpu.memory_space<vmem>>
        %dma_wait3A_260 = tpu.memref_squeeze %dma_wait3A_259 : memref<1x128x128xf32, #tpu.memory_space<vmem>> -> memref<128x128xf32, #tpu.memory_space<vmem>>
        %dma_wait3A_261 = arith.constant 0 : i32
        %dma_wait3A_262 = tpu.memref_slice %arg7[%dma_wait3A_255, %dma_wait3A_256, %dma_wait3A_261] : memref<2x1x128xi32, #tpu.memory_space<vmem>> -> memref<1x1x128xi32, #tpu.memory_space<vmem>>
        %dma_wait3A_263 = tpu.memref_squeeze %dma_wait3A_262 : memref<1x1x128xi32, #tpu.memory_space<vmem>> -> memref<128xi32, #tpu.memory_space<vmem>>
        %dma_wait3A_264 = arith.constant 0 : i32
        %dma_wait3A_265 = arith.constant 0 : i32
        %dma_wait3A_266 = tpu.memref_slice %arg6[%dma_wait3A_264, %dma_wait3A_265] : memref<10000x128xf32, #tpu.memory_space<vmem_shared>> -> memref<10000x128xf32, #tpu.memory_space<vmem_shared>>
        tpu.wait_indirect_dma semaphore(%arg15 : memref<!tpu.dma_semaphore, #tpu.memory_space<semaphore_mem>>) src(%dma_wait3A_260 : memref<128x128xf32, #tpu.memory_space<vmem>>) dst(%dma_wait3A_266 : memref<10000x128xf32, #tpu.memory_space<vmem_shared>>)
        %add3A_267 = arith.constant 2 : i32
        %add3A_268 = arith.addi %add3A_156, %add3A_267 : i32
        %lt3A_269 = arith.cmpi slt, %add3A_268, %add3A_7 : i32
        %convert_element_type3A_270 = arith.extui %lt3A_269 : i1 to i32
        %cond3A_271 = arith.constant 0 : i32
        %cond3A_272 = arith.cmpi ne, %convert_element_type3A_270, %cond3A_271 : i32
        scf.if %cond3A_272 {
          %add3A_273 = arith.constant 2 : i32
          %add3A_274 = arith.addi %add3A_156, %add3A_273 : i32
          %add3A_275 = arith.addi %add3A_11, %add3A_274 : i32
          %dma_start3A_276 = arith.constant 1 : i32
          %dma_start3A_277 = arith.constant 0 : i32
          %dma_start3A_278 = arith.constant 0 : i32
          %dma_start3A_279 = tpu.memref_slice %arg7[%dma_start3A_276, %dma_start3A_277, %dma_start3A_278] : memref<2x1x128xi32, #tpu.memory_space<vmem>> -> memref<1x1x128xi32, #tpu.memory_space<vmem>>
          %dma_start3A_280 = tpu.memref_squeeze %dma_start3A_279 : memref<1x1x128xi32, #tpu.memory_space<vmem>> -> memref<1x128xi32, #tpu.memory_space<vmem>>
          %dma_start3A_281 = arith.constant 0 : i32
          %dma_start3A_282 = arith.constant 0 : i32
          %dma_start3A_283 = tpu.memref_slice %arg3[%add3A_275, %dma_start3A_281, %dma_start3A_282] : memref<2500x1x128xi32, #tpu.memory_space<hbm>> -> memref<1x1x128xi32, #tpu.memory_space<hbm>>
          %dma_start3A_284 = tpu.memref_squeeze %dma_start3A_283 : memref<1x1x128xi32, #tpu.memory_space<hbm>> -> memref<1x128xi32, #tpu.memory_space<hbm>>
          %dma_start3A_285 = arith.constant 0 : i32
          %dma_start3A_286 = arith.constant 0 : i32
          %dma_start3A_287 = tpu.memref_slice %arg7[%dma_start3A_276, %dma_start3A_285, %dma_start3A_286] : memref<2x1x128xi32, #tpu.memory_space<vmem>> -> memref<1x1x128xi32, #tpu.memory_space<vmem>>
          %dma_start3A_288 = tpu.memref_squeeze %dma_start3A_287 : memref<1x1x128xi32, #tpu.memory_space<vmem>> -> memref<1x128xi32, #tpu.memory_space<vmem>>
          %dma_start3A_289 = arith.constant 0 : i32
          %dma_start3A_290 = arith.constant 0 : i32
          %dma_start3A_291 = tpu.memref_slice %arg3[%add3A_275, %dma_start3A_289, %dma_start3A_290] : memref<2500x1x128xi32, #tpu.memory_space<hbm>> -> memref<1x1x128xi32, #tpu.memory_space<hbm>>
          %dma_start3A_292 = tpu.memref_squeeze %dma_start3A_291 : memref<1x1x128xi32, #tpu.memory_space<hbm>> -> memref<1x128xi32, #tpu.memory_space<hbm>>
          tpu.enqueue_dma source(%dma_start3A_292 : memref<1x128xi32, #tpu.memory_space<hbm>>) target(%dma_start3A_288 : memref<1x128xi32, #tpu.memory_space<vmem>>) target_semaphore(%arg11 : memref<!tpu.dma_semaphore, #tpu.memory_space<semaphore_mem>>)
          %mul3A_293 = arith.constant 128 : i32
          %mul3A_294 = arith.muli %add3A_275, %mul3A_293 : i32
          %dma_start3A_295 = arith.constant 1 : i32
          %dma_start3A_296 = arith.constant 0 : i32
          %dma_start3A_297 = arith.constant 0 : i32
          %dma_start3A_298 = tpu.memref_slice %arg8[%dma_start3A_295, %dma_start3A_296, %dma_start3A_297] : memref<2x128x128xf32, #tpu.memory_space<vmem>> -> memref<1x128x128xf32, #tpu.memory_space<vmem>>
          %dma_start3A_299 = tpu.memref_squeeze %dma_start3A_298 : memref<1x128x128xf32, #tpu.memory_space<vmem>> -> memref<128x128xf32, #tpu.memory_space<vmem>>
          %dma_start3A_300 = arith.constant 0 : i32
          %dma_start3A_301 = tpu.memref_slice %arg2[%mul3A_294, %dma_start3A_300] : memref<320000x128xf32, #tpu.memory_space<hbm>> -> memref<128x128xf32, #tpu.memory_space<hbm>>
          %dma_start3A_302 = arith.constant 0 : i32
          %dma_start3A_303 = arith.constant 0 : i32
          %dma_start3A_304 = tpu.memref_slice %arg8[%dma_start3A_295, %dma_start3A_302, %dma_start3A_303] : memref<2x128x128xf32, #tpu.memory_space<vmem>> -> memref<1x128x128xf32, #tpu.memory_space<vmem>>
          %dma_start3A_305 = tpu.memref_squeeze %dma_start3A_304 : memref<1x128x128xf32, #tpu.memory_space<vmem>> -> memref<128x128xf32, #tpu.memory_space<vmem>>
          %dma_start3A_306 = arith.constant 0 : i32
          %dma_start3A_307 = tpu.memref_slice %arg2[%mul3A_294, %dma_start3A_306] : memref<320000x128xf32, #tpu.memory_space<hbm>> -> memref<128x128xf32, #tpu.memory_space<hbm>>
          tpu.enqueue_dma source(%dma_start3A_307 : memref<128x128xf32, #tpu.memory_space<hbm>>) target(%dma_start3A_305 : memref<128x128xf32, #tpu.memory_space<vmem>>) target_semaphore(%arg13 : memref<!tpu.dma_semaphore, #tpu.memory_space<semaphore_mem>>)
        } else {
        }
      } else {
      }
      %while3A_161 = arith.constant 0 : i32
      scf.yield %while3A_161 : i32
    }
    %barrier3A_138 = arith.constant 0 : index
    tpu.barrier barrier_id(%barrier3A_138)
    "tpu.region"() ({
      %run_scoped3A_145 = tpu.sem_alloc : memref<!tpu.dma_semaphore, #tpu.memory_space<semaphore_mem>>
      %dma_start3A_146 = arith.constant 0 : i32
      %dma_start3A_147 = tpu.memref_slice %arg4[%arg0, %mul3A_69, %dma_start3A_146] : memref<2x10000x128xf32, #tpu.memory_space<hbm>> -> memref<1x624x128xf32, #tpu.memory_space<hbm>>
      %dma_start3A_148 = tpu.memref_squeeze %dma_start3A_147 : memref<1x624x128xf32, #tpu.memory_space<hbm>> -> memref<624x128xf32, #tpu.memory_space<hbm>>
      %dma_start3A_149 = arith.constant 0 : i32
      %dma_start3A_150 = tpu.memref_slice %arg6[%mul3A_69, %dma_start3A_149] : memref<10000x128xf32, #tpu.memory_space<vmem_shared>> -> memref<624x128xf32, #tpu.memory_space<vmem_shared>>
      tpu.enqueue_dma source(%dma_start3A_150 : memref<624x128xf32, #tpu.memory_space<vmem_shared>>) target(%dma_start3A_148 : memref<624x128xf32, #tpu.memory_space<hbm>>) target_semaphore(%run_scoped3A_145 : memref<!tpu.dma_semaphore, #tpu.memory_space<semaphore_mem>>)
      %dma_wait3A = arith.constant 0 : i32
      %dma_wait3A_151 = tpu.memref_slice %arg4[%arg0, %mul3A_69, %dma_wait3A] : memref<2x10000x128xf32, #tpu.memory_space<hbm>> -> memref<1x624x128xf32, #tpu.memory_space<hbm>>
      %dma_wait3A_152 = tpu.memref_squeeze %dma_wait3A_151 : memref<1x624x128xf32, #tpu.memory_space<hbm>> -> memref<624x128xf32, #tpu.memory_space<hbm>>
      %dma_wait3A_153 = arith.constant 0 : i32
      %dma_wait3A_154 = tpu.memref_slice %arg6[%mul3A_69, %dma_wait3A_153] : memref<10000x128xf32, #tpu.memory_space<vmem_shared>> -> memref<624x128xf32, #tpu.memory_space<vmem_shared>>
      tpu.wait_dma2 semaphore(%run_scoped3A_145 : memref<!tpu.dma_semaphore, #tpu.memory_space<semaphore_mem>>) src(%dma_wait3A_154 : memref<624x128xf32, #tpu.memory_space<vmem_shared>>) dst(%dma_wait3A_152 : memref<624x128xf32, #tpu.memory_space<hbm>>)
      tpu.yield
    }) : () -> ()
    %eq3A_139 = arith.constant 15 : i32
    %eq3A_140 = arith.cmpi eq, %arg1, %eq3A_139 : i32
    %convert_element_type3A_141 = arith.extui %eq3A_140 : i1 to i32
    %cond3A_142 = arith.constant 0 : i32
    %cond3A_143 = arith.cmpi ne, %convert_element_type3A_141, %cond3A_142 : i32
    scf.if %cond3A_143 {
      "tpu.region"() ({
        %run_scoped3A_145 = tpu.sem_alloc : memref<!tpu.dma_semaphore, #tpu.memory_space<semaphore_mem>>
        %dma_start3A_146 = arith.constant 9984 : i32
        %dma_start3A_147 = arith.constant 0 : i32
        %dma_start3A_148 = tpu.memref_slice %arg4[%arg0, %dma_start3A_146, %dma_start3A_147] : memref<2x10000x128xf32, #tpu.memory_space<hbm>> -> memref<1x16x128xf32, #tpu.memory_space<hbm>>
        %dma_start3A_149 = tpu.memref_squeeze %dma_start3A_148 : memref<1x16x128xf32, #tpu.memory_space<hbm>> -> memref<16x128xf32, #tpu.memory_space<hbm>>
        %dma_start3A_150 = arith.constant 9984 : i32
        %dma_start3A_151 = arith.constant 0 : i32
        %dma_start3A_152 = tpu.memref_slice %arg6[%dma_start3A_150, %dma_start3A_151] : memref<10000x128xf32, #tpu.memory_space<vmem_shared>> -> memref<16x128xf32, #tpu.memory_space<vmem_shared>>
        tpu.enqueue_dma source(%dma_start3A_152 : memref<16x128xf32, #tpu.memory_space<vmem_shared>>) target(%dma_start3A_149 : memref<16x128xf32, #tpu.memory_space<hbm>>) target_semaphore(%run_scoped3A_145 : memref<!tpu.dma_semaphore, #tpu.memory_space<semaphore_mem>>)
        %dma_wait3A = arith.constant 9984 : i32
        %dma_wait3A_153 = arith.constant 0 : i32
        %dma_wait3A_154 = tpu.memref_slice %arg4[%arg0, %dma_wait3A, %dma_wait3A_153] : memref<2x10000x128xf32, #tpu.memory_space<hbm>> -> memref<1x16x128xf32, #tpu.memory_space<hbm>>
        %dma_wait3A_155 = tpu.memref_squeeze %dma_wait3A_154 : memref<1x16x128xf32, #tpu.memory_space<hbm>> -> memref<16x128xf32, #tpu.memory_space<hbm>>
        %dma_wait3A_156 = arith.constant 9984 : i32
        %dma_wait3A_157 = arith.constant 0 : i32
        %dma_wait3A_158 = tpu.memref_slice %arg6[%dma_wait3A_156, %dma_wait3A_157] : memref<10000x128xf32, #tpu.memory_space<vmem_shared>> -> memref<16x128xf32, #tpu.memory_space<vmem_shared>>
        tpu.wait_dma2 semaphore(%run_scoped3A_145 : memref<!tpu.dma_semaphore, #tpu.memory_space<semaphore_mem>>) src(%dma_wait3A_158 : memref<16x128xf32, #tpu.memory_space<vmem_shared>>) dst(%dma_wait3A_155 : memref<16x128xf32, #tpu.memory_space<hbm>>)
        tpu.yield
      }) : () -> ()
    } else {
    }
    %run_scoped3A_144 = arith.constant 0 : i32
    "tpu.region"() ({
      %run_scoped3A_145 = tpu.sem_alloc : memref<!tpu.dma_semaphore, #tpu.memory_space<semaphore_mem>>
      %dma_start3A_146 = arith.constant 0 : i32
      %dma_start3A_147 = tpu.memref_slice %arg5[%add3A, %run_scoped3A_144, %dma_start3A_146] : memref<32x1x10000xf32, #tpu.memory_space<hbm>> -> memref<1x1x10000xf32, #tpu.memory_space<hbm>>
      %dma_start3A_148 = tpu.memref_squeeze %dma_start3A_147 : memref<1x1x10000xf32, #tpu.memory_space<hbm>> -> memref<10000xf32, #tpu.memory_space<hbm>>
      %dma_start3A_149 = arith.constant 0 : i32
      %dma_start3A_150 = tpu.memref_slice %arg5[%add3A, %run_scoped3A_144, %dma_start3A_149] : memref<32x1x10000xf32, #tpu.memory_space<hbm>> -> memref<1x1x10000xf32, #tpu.memory_space<hbm>>
      %dma_start3A_151 = tpu.memref_squeeze %dma_start3A_150 : memref<1x1x10000xf32, #tpu.memory_space<hbm>> -> memref<10000xf32, #tpu.memory_space<hbm>>
      tpu.enqueue_dma source(%arg9 : memref<10000xf32, #tpu.memory_space<vmem>>) target(%dma_start3A_151 : memref<10000xf32, #tpu.memory_space<hbm>>) target_semaphore(%run_scoped3A_145 : memref<!tpu.dma_semaphore, #tpu.memory_space<semaphore_mem>>)
      %dma_wait3A = arith.constant 0 : i32
      %dma_wait3A_152 = tpu.memref_slice %arg5[%add3A, %run_scoped3A_144, %dma_wait3A] : memref<32x1x10000xf32, #tpu.memory_space<hbm>> -> memref<1x1x10000xf32, #tpu.memory_space<hbm>>
      %dma_wait3A_153 = tpu.memref_squeeze %dma_wait3A_152 : memref<1x1x10000xf32, #tpu.memory_space<hbm>> -> memref<10000xf32, #tpu.memory_space<hbm>>
      %dma_wait3A_154 = arith.constant 0 : i32
      %dma_wait3A_155 = tpu.memref_slice %arg5[%add3A, %run_scoped3A_144, %dma_wait3A_154] : memref<32x1x10000xf32, #tpu.memory_space<hbm>> -> memref<1x1x10000xf32, #tpu.memory_space<hbm>>
      %dma_wait3A_156 = tpu.memref_squeeze %dma_wait3A_155 : memref<1x1x10000xf32, #tpu.memory_space<hbm>> -> memref<10000xf32, #tpu.memory_space<hbm>>
      tpu.wait_dma2 semaphore(%run_scoped3A_145 : memref<!tpu.dma_semaphore, #tpu.memory_space<semaphore_mem>>) src(%arg9 : memref<10000xf32, #tpu.memory_space<vmem>>) dst(%dma_wait3A_156 : memref<10000xf32, #tpu.memory_space<hbm>>)
      tpu.yield
    }) : () -> ()
    return
  }
}

module attributes {stable_mosaic.version = 14 : i64} {
  func.func @_tc_mlp_body(%arg0: memref<10000x128xf32, #tpu.memory_space<vmem>>, %arg1: memref<10000x16xf32, #tpu.memory_space<vmem>>, %arg2: memref<2x10000x128xf32, #tpu.memory_space<vmem>>, %arg3: memref<32x1x10000xf32, #tpu.memory_space<vmem>>, %arg4: memref<128x128xf32, #tpu.memory_space<vmem>>, %arg5: memref<128x128xf32, #tpu.memory_space<vmem>>, %arg6: memref<16x128xf32, #tpu.memory_space<vmem>>, %arg7: memref<1x128xf32, #tpu.memory_space<vmem>>, %arg8: memref<128x128xf32, #tpu.memory_space<vmem>>, %arg9: memref<1x128xf32, #tpu.memory_space<vmem>>, %arg10: memref<128x128xf32, #tpu.memory_space<vmem>>, %arg11: memref<1x128xf32, #tpu.memory_space<vmem>>, %arg12: memref<10000x128xf32, #tpu.memory_space<vmem>>) attributes {dimension_semantics = [], scalar_prefetch = 0 : i64, scratch_operands = 0 : i64, tpu.core_type = #tpu.core_type<tc>} {
    %get3A = arith.constant 0 : index
    %get3A_0 = arith.constant 0 : index
    %get3A_1 = arith.constant 0 : index
    %get3A_2 = vector.load %arg2[%get3A, %get3A_0, %get3A_1] : memref<2x10000x128xf32, #tpu.memory_space<vmem>>, vector<1x10000x128xf32>
    %get3A_3 = vector.shape_cast %get3A_2 : vector<1x10000x128xf32> to vector<10000x128xf32>
    %get3A_4 = arith.constant 1 : index
    %get3A_5 = arith.constant 0 : index
    %get3A_6 = arith.constant 0 : index
    %get3A_7 = vector.load %arg2[%get3A_4, %get3A_5, %get3A_6] : memref<2x10000x128xf32, #tpu.memory_space<vmem>>, vector<1x10000x128xf32>
    %get3A_8 = vector.shape_cast %get3A_7 : vector<1x10000x128xf32> to vector<10000x128xf32>
    %add3A = arith.addf %get3A_3, %get3A_8 : vector<10000x128xf32>
    %get3A_9 = arith.constant 0 : index
    %get3A_10 = arith.constant 0 : index
    %get3A_11 = arith.constant 0 : index
    %get3A_12 = vector.load %arg3[%get3A_9, %get3A_10, %get3A_11] : memref<32x1x10000xf32, #tpu.memory_space<vmem>>, vector<32x1x10000xf32>
    %get3A_13 = vector.shape_cast %get3A_12 : vector<32x1x10000xf32> to vector<32x10000xf32>
    %reduce_sum3A = arith.constant dense<0.000000e+00> : vector<10000xf32>
    %reduce_sum3A_14 = vector.multi_reduction <add>, %get3A_13, %reduce_sum3A [0] : vector<32x10000xf32> to vector<10000xf32>
    %broadcast_in_dim3A = vector.shape_cast %reduce_sum3A_14 : vector<10000xf32> to vector<10000x1xf32>
    %max3A = arith.constant 1.000000e+00 : f32
    %max3A_15 = vector.broadcast %max3A : f32 to vector<10000x1xf32>
    %max3A_16 = arith.maximumf %broadcast_in_dim3A, %max3A_15 : vector<10000x1xf32>
    %div3A = vector.broadcast %max3A_16 : vector<10000x1xf32> to vector<10000x128xf32>
    %div3A_17 = arith.divf %add3A, %div3A : vector<10000x128xf32>
    %get3A_18 = arith.constant 0 : index
    %get3A_19 = arith.constant 0 : index
    %get3A_20 = vector.load %arg0[%get3A_18, %get3A_19] : memref<10000x128xf32, #tpu.memory_space<vmem>>, vector<10000x128xf32>
    %get3A_21 = arith.constant 0 : index
    %get3A_22 = arith.constant 0 : index
    %get3A_23 = vector.load %arg4[%get3A_21, %get3A_22] : memref<128x128xf32, #tpu.memory_space<vmem>>, vector<128x128xf32>
    %dot_general3A = arith.constant dense<0.000000e+00> : vector<10000x128xf32>
    %dot_general3A_24 = tpu.matmul %get3A_20, %get3A_23, %dot_general3A {dimension_numbers = #tpu.dot_dimension_numbers<[1], [0], [0], [1], [0, 0, 1, 1], [], []>, transpose_lhs_hint = false} : vector<10000x128xf32>, vector<128x128xf32>, vector<10000x128xf32> -> vector<10000x128xf32>
    %get3A_25 = arith.constant 0 : index
    %get3A_26 = arith.constant 0 : index
    %get3A_27 = vector.load %arg5[%get3A_25, %get3A_26] : memref<128x128xf32, #tpu.memory_space<vmem>>, vector<128x128xf32>
    %dot_general3A_28 = arith.constant dense<0.000000e+00> : vector<10000x128xf32>
    %dot_general3A_29 = tpu.matmul %div3A_17, %get3A_27, %dot_general3A_28 {dimension_numbers = #tpu.dot_dimension_numbers<[1], [0], [0], [1], [0, 0, 1, 1], [], []>, transpose_lhs_hint = false} : vector<10000x128xf32>, vector<128x128xf32>, vector<10000x128xf32> -> vector<10000x128xf32>
    %add3A_30 = arith.addf %dot_general3A_24, %dot_general3A_29 : vector<10000x128xf32>
    %get3A_31 = arith.constant 0 : index
    %get3A_32 = arith.constant 0 : index
    %get3A_33 = vector.load %arg1[%get3A_31, %get3A_32] : memref<10000x16xf32, #tpu.memory_space<vmem>>, vector<10000x16xf32>
    %get3A_34 = arith.constant 0 : index
    %get3A_35 = arith.constant 0 : index
    %get3A_36 = vector.load %arg6[%get3A_34, %get3A_35] : memref<16x128xf32, #tpu.memory_space<vmem>>, vector<16x128xf32>
    %dot_general3A_37 = arith.constant dense<0.000000e+00> : vector<10000x128xf32>
    %dot_general3A_38 = tpu.matmul %get3A_33, %get3A_36, %dot_general3A_37 {dimension_numbers = #tpu.dot_dimension_numbers<[1], [0], [0], [1], [0, 0, 1, 1], [], []>, transpose_lhs_hint = false} : vector<10000x16xf32>, vector<16x128xf32>, vector<10000x128xf32> -> vector<10000x128xf32>
    %add3A_39 = arith.addf %add3A_30, %dot_general3A_38 : vector<10000x128xf32>
    %get3A_40 = arith.constant 0 : index
    %get3A_41 = arith.constant 0 : index
    %get3A_42 = vector.load %arg7[%get3A_40, %get3A_41] : memref<1x128xf32, #tpu.memory_space<vmem>>, vector<1x128xf32>
    %add3A_43 = vector.broadcast %get3A_42 : vector<1x128xf32> to vector<10000x128xf32>
    %add3A_44 = arith.addf %add3A_39, %add3A_43 : vector<10000x128xf32>
    %logistic3A = arith.negf %add3A_44 : vector<10000x128xf32>
    %logistic3A_45 = math.exp %logistic3A : vector<10000x128xf32>
    %logistic3A_46 = arith.constant 1.000000e+00 : f32
    %logistic3A_47 = vector.broadcast %logistic3A_46 : f32 to vector<10000x128xf32>
    %logistic3A_48 = arith.addf %logistic3A_47, %logistic3A_45 : vector<10000x128xf32>
    %logistic3A_49 = arith.divf %logistic3A_47, %logistic3A_48 : vector<10000x128xf32>
    %mul3A = arith.mulf %add3A_44, %logistic3A_49 : vector<10000x128xf32>
    %get3A_50 = arith.constant 0 : index
    %get3A_51 = arith.constant 0 : index
    %get3A_52 = vector.load %arg8[%get3A_50, %get3A_51] : memref<128x128xf32, #tpu.memory_space<vmem>>, vector<128x128xf32>
    %dot_general3A_53 = arith.constant dense<0.000000e+00> : vector<10000x128xf32>
    %dot_general3A_54 = tpu.matmul %mul3A, %get3A_52, %dot_general3A_53 {dimension_numbers = #tpu.dot_dimension_numbers<[1], [0], [0], [1], [0, 0, 1, 1], [], []>, transpose_lhs_hint = false} : vector<10000x128xf32>, vector<128x128xf32>, vector<10000x128xf32> -> vector<10000x128xf32>
    %get3A_55 = arith.constant 0 : index
    %get3A_56 = arith.constant 0 : index
    %get3A_57 = vector.load %arg9[%get3A_55, %get3A_56] : memref<1x128xf32, #tpu.memory_space<vmem>>, vector<1x128xf32>
    %add3A_58 = vector.broadcast %get3A_57 : vector<1x128xf32> to vector<10000x128xf32>
    %add3A_59 = arith.addf %dot_general3A_54, %add3A_58 : vector<10000x128xf32>
    %logistic3A_60 = arith.negf %add3A_59 : vector<10000x128xf32>
    %logistic3A_61 = math.exp %logistic3A_60 : vector<10000x128xf32>
    %logistic3A_62 = arith.constant 1.000000e+00 : f32
    %logistic3A_63 = vector.broadcast %logistic3A_62 : f32 to vector<10000x128xf32>
    %logistic3A_64 = arith.addf %logistic3A_63, %logistic3A_61 : vector<10000x128xf32>
    %logistic3A_65 = arith.divf %logistic3A_63, %logistic3A_64 : vector<10000x128xf32>
    %mul3A_66 = arith.mulf %add3A_59, %logistic3A_65 : vector<10000x128xf32>
    %get3A_67 = arith.constant 0 : index
    %get3A_68 = arith.constant 0 : index
    %get3A_69 = vector.load %arg10[%get3A_67, %get3A_68] : memref<128x128xf32, #tpu.memory_space<vmem>>, vector<128x128xf32>
    %dot_general3A_70 = arith.constant dense<0.000000e+00> : vector<10000x128xf32>
    %dot_general3A_71 = tpu.matmul %mul3A_66, %get3A_69, %dot_general3A_70 {dimension_numbers = #tpu.dot_dimension_numbers<[1], [0], [0], [1], [0, 0, 1, 1], [], []>, transpose_lhs_hint = false} : vector<10000x128xf32>, vector<128x128xf32>, vector<10000x128xf32> -> vector<10000x128xf32>
    %get3A_72 = arith.constant 0 : index
    %get3A_73 = arith.constant 0 : index
    %get3A_74 = vector.load %arg11[%get3A_72, %get3A_73] : memref<1x128xf32, #tpu.memory_space<vmem>>, vector<1x128xf32>
    %add3A_75 = vector.broadcast %get3A_74 : vector<1x128xf32> to vector<10000x128xf32>
    %add3A_76 = arith.addf %dot_general3A_71, %add3A_75 : vector<10000x128xf32>
    %swap3A = arith.constant 0 : index
    %swap3A_77 = arith.constant 0 : index
    %swap3A_78 = vector.load %arg12[%swap3A, %swap3A_77] : memref<10000x128xf32, #tpu.memory_space<vmem>>, vector<10000x128xf32>
    tpu.vector_store %arg12[%swap3A, %swap3A_77], %add3A_76 {strides = array<i32>} : memref<10000x128xf32, #tpu.memory_space<vmem>>, vector<10000x128xf32>,
    return
  }
}

</mosaic_0001>

<sc_bundles>
// kernel: kernel.4.cloned.1.call-start
scs
__scs_entry_jumppad:
0x0: {  	(pc) =	sbr.rel $0x88, $3  }
0x1: {  	(tag) =	ssettag $0x0;
	lr =	simm.s32 $0x1  }
0x2: {  	[smem:$0x3F97] =	sst lr;
	_ =	strace $0xD0000000  }
0x3: {  	_ = 	snop  }
0x4: {  	_ = 	snop  }
0x5: {  	_ = 	snop  }
0x6: {  	_ = 	snop  }
0x7: {  	_ = 	snop  }
__scs_overlays_trampoline_lowered:
0x8: {  	[smem:$0x3FA6] =	sst s0  }
0x9: {  	[smem:$0x3FA7] =	sst s1  }
0xa: {  	[smem:$0x3FA8] =	sst s2  }
0xb: {  	[smem:$0x3FA9] =	sst s3  }
0xc: {  	[smem:$0x3FAA] =	sst s4  }
0xd: {  	[smem:$0x3FAB] =	sst s5  }
0xe: {  	[smem:$0x3FAC] =	sst s6  }
0xf: {  	[smem:$0x3FAD] =	sst s7  }
0x10: {  	[smem:$0x3FAE] =	sst s8  }
0x11: {  	[smem:$0x3FAF] =	sst s9;
	s0 =	simm.s32 @!p0 $0x0  }
0x12: {  	s1 =	sld [smem:$0x3F95];
	s0 =	simm.s32 @p0 $0x1  }
0x13: {  	[smem:$0x3FB0] =	sst s0;
	s0 =	simm.s32 @!p1 $0x0  }
0x14: {  	s2 =	sld [smem:$0x3F94];
	s0 =	simm.s32 @p1 $0x1  }
0x15: {  	[smem:$0x3FB1] =	sst s0;
	s0 =	simm.s32 @!p2 $0x0  }
0x16: {  	s3 =	sld [smem:$0x3FDB];
	s0 =	simm.s32 @p2 $0x1  }
0x17: {  	s4 =	simm.s32 $0x1BF5;
	[smem:$0x3FB3] =	sst s0  }
0x18: {  	s0 =	sld [smem:$0x3F96];
	_ =	swait.ge [sflag:s4], $0x0  }
0x19: {  	s7 =	sld [smem:$0x3F97]  }
0x1a: {  	s8 =	sadd.s32 $0xFFFFE003, lr  }
0x1b: {  	s9 =	sadd.s32 $0xFFFFFEF7, lr;
	s5 =	simm.s32 $0xFFFFFFFF;
	p2 =	slt.u32 s8, $0xFFFFF086  }
0x1c: {  	p1 =	slt.u32 s9, $0xF7A;
	s5 =	simm.s32 @!p2 $0x0  }
0x1d: {  	s5 =	simm.s32 @p1 $0x1;
	p0 =	seq.s32 s7, s2  }
0x1e: {  	s7 =	smul.u32 @!p0 $0xF7A, s2;
	p2 =	seq.s32 @!p0 s5, $0x0  }
0x1f: {  	s9 =	smul.u32 $0xF7A, s1;
	s8 =	simm.s32 @!p0 $0x1BF5;
	p2 =	por !p2, p0  }
0x20: {  	[sflag:s8] =	ssyncset.s32 @!p0 $0xFFFFF086;
	s6 =	sadd.s32 @!p0 s3, s7;
	s7 =	simm.s32 @!p0 $0x108  }
0x21: {  	s3 =	sadd.s32 s3, s9;
	s6 =	sadd.s32 @!p0 $0x88, s6;
	s7 =	simm.s32 @p2 $0x1082  }
0x22: {  	[simem:s7], [sflag:s8] =	dma.local @!p0 [hbm:s6], $0xF7A  }
0x23: {  	s9 =	sor.u32 $0xD0000000, s2;
	s6 =	simm.s32 $0x108;
	_ =	swait.ge @!p0 [sflag:s8], $0x0  }
0x24: {  	s3 =	sadd.s32 $0x88, s3;
	s6 =	simm.s32 @!p1 $0x1082;
	[sflag:s4] =	ssyncset.s32 $0xFFFFF086  }
0x25: {  	[simem:s6], [sflag:s4] =	dma.local [hbm:s3], $0xF7A  }
0x26: {  	[smem:$0x3F97] =	sst s1;
	(tag) =	ssettag s2;
	_ =	strace s9  }
0x27: {  	s1 =	sld [smem:$0x3FA7]  }
0x28: {  	s2 =	sld [smem:$0x3FA8]  }
0x29: {  	s4 =	sld [smem:$0x3FAA]  }
0x2a: {  	p0 =	seq.s32 s5, $0x0;
	s5 =	sld [smem:$0x3FAB]  }
0x2b: {  	s6 =	sld [smem:$0x3FAC]  }
0x2c: {  	s7 =	sld [smem:$0x3FAD]  }
0x2d: {  	s3 =	simm.s32 $0x108;
	s8 =	sld [smem:$0x3FAE]  }
0x2e: {  	s3 =	simm.s32 @!p0 $0x1082;
	s9 =	sld [smem:$0x3FAF]  }
0x2f: {  	lr =	sadd.s32 s0, s3;
	s0 =	sld [smem:$0x3FA6]  }
0x30: {  	s3 =	sld [smem:$0x3FA9]  }
0x31: {  	[smem:$0x3FB2] =	sst s10  }
0x32: {  	s10 =	sld [smem:$0x3FB0];
	_ =	sdelay $0x3  }
0x33: {  	p0 =	seq.s32 s10, $0x1;
	s10 =	sld [smem:$0x3FB2];
	_ =	sdelay $0x3  }
0x34: {  	[smem:$0x3FB2] =	sst s10  }
0x35: {  	s10 =	sld [smem:$0x3FB1];
	_ =	sdelay $0x3  }
0x36: {  	p1 =	seq.s32 s10, $0x1;
	s10 =	sld [smem:$0x3FB2];
	_ =	sdelay $0x3  }
0x37: {  	[smem:$0x3FB2] =	sst s10  }
0x38: {  	s10 =	sld [smem:$0x3FB3]  }
0x39: {  	_ = 	snop;
	(pc) =	sbr.ind lr, $3  }
0x3a: {  	_ = 	snop  }
0x3b: {  	_ = 	snop  }
0x3c: {  	p2 =	seq.s32 s10, $0x1;
	s10 =	sld [smem:$0x3FB2]  }
0x3d: {  	_ =	shalt  }
0x3e: {  	_ =	shalt  }
0x3f: {  	_ =	shalt  }
0x40: {  	_ =	shalt  }
0x41: {  	_ =	shalt  }
0x42: {  	_ =	shalt  }
0x43: {  	_ =	shalt  }
0x44: {  	_ =	shalt  }
0x45: {  	_ =	shalt  }
0x46: {  	_ =	shalt  }
0x47: {  	_ =	shalt  }
0x48: {  	_ =	shalt  }
0x49: {  	_ =	shalt  }
0x4a: {  	_ =	shalt  }
0x4b: {  	_ =	shalt  }
0x4c: {  	_ =	shalt  }
0x4d: {  	_ =	shalt  }
0x4e: {  	_ =	shalt  }
0x4f: {  	_ =	shalt  }
0x50: {  	_ =	shalt  }
0x51: {  	_ =	shalt  }
0x52: {  	_ =	shalt  }
0x53: {  	_ =	shalt  }
0x54: {  	_ =	shalt  }
0x55: {  	_ =	shalt  }
0x56: {  	_ =	shalt  }
0x57: {  	_ =	shalt  }
0x58: {  	_ =	shalt  }
0x59: {  	_ =	shalt  }
0x5a: {  	_ =	shalt  }
0x5b: {  	_ =	shalt  }
0x5c: {  	_ =	shalt  }
0x5d: {  	_ =	shalt  }
0x5e: {  	_ =	shalt  }
0x5f: {  	_ =	shalt  }
0x60: {  	_ =	shalt  }
0x61: {  	_ =	shalt  }
0x62: {  	_ =	shalt  }
0x63: {  	_ =	shalt  }
0x64: {  	_ =	shalt  }
0x65: {  	_ =	shalt  }
0x66: {  	_ =	shalt  }
0x67: {  	_ =	shalt  }
0x68: {  	_ =	shalt  }
0x69: {  	_ =	shalt  }
0x6a: {  	_ =	shalt  }
0x6b: {  	_ =	shalt  }
0x6c: {  	_ =	shalt  }
0x6d: {  	_ =	shalt  }
0x6e: {  	_ =	shalt  }
0x6f: {  	_ =	shalt  }
0x70: {  	_ =	shalt  }
0x71: {  	_ =	shalt  }
0x72: {  	_ =	shalt  }
0x73: {  	_ =	shalt  }
0x74: {  	_ =	shalt  }
0x75: {  	_ =	shalt  }
0x76: {  	_ =	shalt  }
0x77: {  	_ =	shalt  }
0x78: {  	_ =	shalt  }
0x79: {  	_ =	shalt  }
0x7a: {  	_ =	shalt  }
0x7b: {  	_ =	shalt  }
0x7c: {  	_ =	shalt  }
0x7d: {  	_ =	shalt  }
0x7e: {  	_ =	shalt  }
0x7f: {  	_ =	shalt  }
0x80: {  	_ =	shalt  }
0x81: {  	_ =	shalt  }
0x82: {  	_ =	shalt  }
0x83: {  	_ =	shalt  }
0x84: {  	_ =	shalt  }
0x85: {  	_ =	shalt  }
0x86: {  	_ =	shalt  }
0x87: {  	_ =	shalt  }
.Lfunc_end0:
.L_simem_size_0:
called_computation_lowered:
.L_overlay_start_0:
0x88: {  	s2 =	sld [smem:$0x3FD9]  }
0x89: {  	s3 =	sld [smem:$0x3FFE];
	_ =	sdelay $0x1  }
0x8a: {  	s1 =	srdreg.scid  }
0x8b: {  	s0 =	sand.u32 $0x1, s1  }
0x8c: {  	s17 =	sshll.u32 s0, $0xA;
	s2 =	sadd.s32 s3, s2  }
0x8d: {  	s2 =	sadd.s32 s2, s17  }
0x8e: {  	[smem:$0x3FBE] =	sst s2  }
0x8f: {  	_ = 	snop  }
0x90: {  	s2 =	sld [smem:$0x3FC7]  }
0x91: {  	s18 =	sld [smem:$0x3FD0];
	(tm) =	ssettm $0x1  }
0x92: {  	s4 =	sld [smem:$0x3FFB];
	_ =	sdelay $0x3  }
0x93: {  	_ =	strace s4  }
0x94: {  	s4 =	sld [smem:$0x3FFC];
	_ =	sdelay $0x3  }
0x95: {  	_ =	strace s4  }
0x96: {  	s4 =	sld [smem:$0x3FFD];
	_ =	sdelay $0x3  }
0x97: {  	_ =	strace s4  }
0x98: {  	_ =	strace $0x8FFFFFFF  }
0x99: {  	s19 =	sld [smem:$0x3FDB];
	_ =	sdelay $0x1  }
0x9a: {  	s5 =	simm.s32 $_scs_section_size  }
0x9b: {  	s6 =	simm.s32 $_size__tile_overlayer_lowered;
	s7 =	simm.s32 $_tile_overlayer_lowered  }
0x9c: {  	s22 =	simm.s32 $0x1BFF;
	s21 =	sshll.u32 s7, $0x1;
	s4 =	sadd.s32 s5, s19  }
0x9d: {  	s8 =	simm.s32 $0x0;
	s20 =	sshll.u32 s6, $0x1;
	s6 =	sadd.s32 s21, s4  }
0x9e: {  	[timem:s8], [sflag:s22] =	dma.local [hbm:s6], s20  }
0x9f: {  	_ =	swait.ge [sflag:s22], s20  }
0xa0: {  	s5 =	ssub.s32 $0x0, s20;
	[sflag:s22] =	ssyncset.done $0x0  }
0xa1: {  	[sflag:s22] =	ssyncadd.s32 s5;
	_ =	sdelay $0x1  }
0xa2: {  	s23 =	simm.s32 $0x1B8B  }
0xa3: {  	_ =	swait.ge [sflag:s23], $0x1  }
0xa4: {  	[sflag:s23] =	ssyncset.done $0x0  }
0xa5: {  	s25 =	simm.s32 $0x1B8E;
	s24 =	sld [smem:$0x3FFE];
	[sflag:s23] =	ssyncadd.s32 $0xFFFFFFFF  }
0xa6: {  	s26 =	simm.s32 $execute0_lowered;
	[smem:$0x3FD2] =	sst s25  }
0xa7: {  	s6 =	sshll.u32 s26, $0x1;
	_ =	strace $0x80000046;
	[dreg:$0x1] =	wrdreg $0xFFFFFFFF  }
0xa8: {  	s28 =	simm.s32 $_size_execute0_lowered;
	s4 =	sadd.s32 s4, s6;
	[dreg:$0x0] =	wrdreg $0x0  }
0xa9: {  	s6 =	sshll.u32 s28, $0x1;
	[dreg:$0x2] =	wrdreg s4  }
0xaa: {  	[dreg:$0x3] =	wrdreg s6  }
0xab: {  	[dreg:$0x4] =	wrdreg $0xC0  }
0xac: {  	_ =	task [dreg:s8], $0x5FFFF  }
0xad: {  	[dreg:$0x1] =	wrdreg $0xFFFFFFFF  }
0xae: {  	[dreg:$0x0] =	wrdreg $0x60  }
0xaf: {  	[dreg:$0x2] =	wrdreg s2  }
0xb0: {  	[dreg:$0x3] =	wrdreg s24  }
0xb1: {  	[dreg:$0x4] =	wrdreg s18  }
0xb2: {  	[dreg:$0x5] =	wrdreg $0x0  }
0xb3: {  	[dreg:$0x6] =	wrdreg $0x9  }
0xb4: {  	_ =	task.clear_ibuf [dreg:s8], $0x7FFFF;
	_ =	strace $0x90000046  }
0xb5: {  	s29 =	simm.s32 $0x9;
	_ =	strace $0x80000048  }
0xb6: {  	_ =	swait.ge [sflag:s29], $0x1  }
0xb7: {  	[sflag:s29] =	ssyncadd.s32 $0xFFFFFFFF  }
0xb8: {  	_ =	strace $0x90000048  }
0xb9: {  	_ =	sfence  }
0xba: {  	s30 =	sld [smem:$0x0];
	_ =	sdelay $0x2  }
0xbb: {  	s31 =	sshll.u32 s1, $0xD;
	s1 =	sshrl.u32 s1, $0x2  }
0xbc: {  	s3 =	sand.u32 $0x4000, s31;
	s1 =	sadd.s32 s1, s30  }
0xbd: {  	s0 =	sor.u32 s3, s0;
	s1 =	sshll.u32 s1, $0x11  }
0xbe: {  	s0 =	sor.u32 s1, s0  }
0xbf: {  	s0 =	sadd.s32 $0x8F2B, s0  }
0xc0: {  	[sflag:s0] =	ssyncadd.remote.s32 $0x1  }
0xc1: {  	_ =	sfence.sel $0xFFFF  }
0xc2: {  	[dreg:$0x0] =	wrdreg $0xFFFFFFFF;
	(pc) =	sbr.abs _section_cstart, $3  }
0xc3: {  	[dreg:$0x1] =	wrdreg $0xFFFFFFFF  }
0xc4: {  	_ =	task.clear_ibuf [dreg:s8], $0x2FFFF;
	_ =	strace $0x9FFFFFFF  }
0xc5: {  	(tm) =	ssettm $0x7FFFFFFF  }
tec
execute0_lowered:
.L_overlay_start_1:
0x0: {  	(tag) =	ssettag $0x1  }
0x1: {  	s0 =	rddreg [dreg:$0x0]  }
0x2: {  	s1 =	rddreg [dreg:$0x1]  }
0x3: {  	s15 =	rddreg [dreg:$0x2]  }
0x4: {  	s2 =	rddreg [dreg:$0x3]  }
0x5: {  	s4 =	srdreg.scid;
	s8 =	stileid.u32  }
0x6: {  	s3 =	simm.s32 $0x0;
	s28 =	simm.s32 $0x7;
	s31 =	simm.s32 $0x0  }
0x7: {  	s12 =	sand.u32 $0x1, s4;
	s18 =	sshll.u32 s8, $0x1;
	[smem:$0x7FF] =	sst s3  }
0x8: {  	s20 =	sadd.s32 $0x1E00, s1;
	s1 =	sadd.s32 $0xBC00, s1;
	s21 =	smul.u32 $0x4E000, s8  }
0x9: {  	p0 =	slt.u32 s8, $0x2;
	s9 =	sadd.s32 $0x138000, s2;
	s17 =	smul.u32 $0x13800, s8  }
0xa: {  	s25 =	smul.u32 $0x9C, s8;
	s11 =	sor.u32 s12, s18;
	s5 =	ssub.s32 $0x2, s12  }
0xb: {  	_ =	strace $0x80000047;
	s14 =	smul.u32 $0x138800, s12;
	s6 =	sshrl.u32 s5, $0x1  }
0xc: {  	s4 =	smul.u32 $0x4E, s11;
	s18 =	smin.u32 s11, $0x4;
	s16 =	ssub.s32 s5, s6  }
0xd: {  	s6 =	sshrl.u32 s21, $0x2;
	s24 =	sadd.s32 s17, s14;
	s14 =	sshrl.u32 s14, $0x3  }
0xe: {  	s21 =	smul.u32 $0x4E, s12;
	s13 =	sadd.s32 s18, s4;
	s4 =	simm.s32 $0x4F  }
0xf: {  	s6 =	sadd.s32 s6, s2;
	s16 =	smax.u32 s16, $0x1;
	s19 =	sshll.u32 s13, $0x7  }
0x10: {  	s4 =	simm.s32 @!p0 $0x4E;
	s23 =	sadd.s32 $0x10000, s6;
	s10 =	sshll.u32 s13, $0x4  }
0x11: {  	s13 =	sshll.u32 s13, $0xB;
	s26 =	sadd.s32 s21, s25;
	s17 =	sadd.s32 $0x4000, s6  }
0x12: {  	p0 =	sne.s32 s8, $0xF;
	s7 =	sadd.s32 $0x80, s19;
	[dreg:$0x7] =	wrdreg s23  }
0x13: {  	s10 =	sadd.s32 s20, s10;
	s19 =	smul.u32 $0x4F0, s11;
	s11 =	sadd.s32 s0, s13  }
0x14: {  	s13 =	sshrl.u32 s24, $0x3;
	s12 =	sadd.s32 $0xFFFFFFFF, s4;
	s5 =	sshrl.u32 s7, $0x3  }
0x15: {  	s7 =	sshll.u32 s7, $0x4;
	s13 =	sadd.s32 s1, s13;
	s1 =	sadd.s32 s1, s14  }
0x16: {  	s5 =	sadd.s32 s20, s5;
	s22 =	sadd.s32 s0, s7;
	s14 =	sadd.s32 $0x27000, s1  }
0x17: {  	s15 =	sadd.s32 s15, s19;
	s1 =	sadd.s32 s18, s26;
	s18 =	sadd.s32 $0x8000, s6  }
0x18: {  	s19 =	sadd.s32 $0xC000, s6;
	s26 =	simm.s32 $0x13980;
	s30 =	sshll.u32 s1, $0xB  }
0x19: {  	[dreg:$0x5] =	wrdreg s5;
	s1 =	sshll.u32 s1, $0x4;
	s0 =	sadd.s32 s30, s0  }
0x1a: {  	[dreg:$0x6] =	wrdreg s22;
	s1 =	sadd.s32 s1, s20;
	s29 =	sadd.s32 $0x1800, s0  }
0x1b: {  	v0 =	vimm.f32 $0.0e+00;
	s25 =	sadd.s32 $0x30, s1;
	s24 =	sadd.s32 $0x1000, s0;
	s1 =	sadd.s32 $0x20, s1  }
.LBB2_1:
0x1c: {  	s0 =	rddreg [dreg:$0x5]  }
0x1d: {  	s5 =	simm.s32 $0x13900;
	s23 =	rddreg [dreg:$0x6]  }
0x1e: {  	[tilespmem:s5], [sflag:$0x2] =	stream.linear.gather [hbm4b:s0+s3], $0x80, $0x38;
	[tilespmem:$0x1E100] =	vst v63  }
0x1f: {  	s30 =	simm.s32 $0x17980;
	s20 =	simm.s32 $0x200;
	s0 =	simm.s32 $0x0  }
0x20: {  	[tilespmem:s30], [sflag:$0x4] =	stream.linear.gather [hbm4b:s23+s3], $0x4000, $0x38;
	[tilespmem:$0x1E100] =	vst v63  }
.LBB2_2:
0x21: {  	p1 =	sne.s32 s20, $0xFE00;
	[tilespmem:s0+$0x139F0] =	vst v0  }
0x22: {  	[tilespmem:s0+$0x13980] =	vst v0  }
0x23: {  	[tilespmem:s0+$0x13990] =	vst v0  }
.Ltmp0:
0x24: {  	[tilespmem:s0+$0x139A0] =	vst v0;
	(pc) =	sbr.rel @p1 .LBB2_2-.Ltmp0, $4  }
0x25: {  	[tilespmem:s0+$0x139B0] =	vst v0  }
0x26: {  	[tilespmem:s0+$0x139C0] =	vst v0  }
0x27: {  	[tilespmem:s0+$0x139D0] =	vst v0  }
0x28: {  	[tilespmem:s0+$0x139E0] =	vst v0;
	s0 =	sshra.s32 s20, $0x2;
	s20 =	sadd.s32 $0x200, s20  }
0x29: {  	[tilespmem:s0+$0x139F0] =	vst v0  }
0x2a: {  	[tilespmem:s0+$0x13980] =	vst v0  }
0x2b: {  	[tilespmem:s0+$0x13990] =	vst v0  }
0x2c: {  	[tilespmem:s0+$0x139A0] =	vst v0  }
0x2d: {  	[tilespmem:s0+$0x139B0] =	vst v0  }
0x2e: {  	[tilespmem:s0+$0x139C0] =	vst v0  }
0x2f: {  	[tilespmem:s0+$0x139D0] =	vst v0  }
0x30: {  	[tilespmem:s0+$0x139E0] =	vst v0;
	s0 =	simm.s32 $0x40;
	s20 =	simm.s32 $0x0  }
.LBB2_4:
0x31: {  	p1 =	sne.s32 s0, $0x9C00;
	[tilespmem:s20+$0x1B980] =	vst v0;
	s20 =	smov.u32 s0;
	s0 =	sadd.s32 $0x40, s0  }
.Ltmp1:
0x32: {  	(pc) =	sbr.rel @p1 .LBB2_4-.Ltmp1, $2  }
0x33: {  	_ =	sdelay $0x2  }
0x34: {  	s20 =	sshra.s32 s20, $0x2  }
0x35: {  	[tilespmem:s20+$0x1B980] =	vst v0  }
0x36: {  	[spmem:s6] =	stream.linear.scatter [tilespmem:s26], [sflag:$0x7], $0x4000, $0x38;
	[tilespmem:$0x1E100] =	vst v63  }
0x37: {  	_ =	swait.ge [sflag:s28], $0x4000  }
0x38: {  	[sflag:s28] =	ssyncset.done $0x0  }
0x39: {  	[sflag:s28] =	ssyncadd.s32 $0xFFFFC000  }
0x3a: {  	[spmem:s17] =	stream.linear.scatter [tilespmem:s26], [sflag:$0x7], $0x4000, $0x38;
	[tilespmem:$0x1E100] =	vst v63  }
0x3b: {  	_ =	swait.ge [sflag:s28], $0x4000  }
0x3c: {  	[sflag:s28] =	ssyncset.done $0x0  }
0x3d: {  	[sflag:s28] =	ssyncadd.s32 $0xFFFFC000  }
0x3e: {  	[spmem:s18] =	stream.linear.scatter [tilespmem:s26], [sflag:$0x7], $0x4000, $0x38;
	[tilespmem:$0x1E100] =	vst v63  }
0x3f: {  	_ =	swait.ge [sflag:s28], $0x4000  }
0x40: {  	[sflag:s28] =	ssyncset.done $0x0  }
0x41: {  	[sflag:s28] =	ssyncadd.s32 $0xFFFFC000  }
0x42: {  	[spmem:s19] =	stream.linear.scatter [tilespmem:s26], [sflag:$0x7], $0x4000, $0x38;
	[tilespmem:$0x1E100] =	vst v63  }
0x43: {  	_ =	swait.ge [sflag:s28], $0x4000  }
0x44: {  	[sflag:s28] =	ssyncset.done $0x0  }
0x45: {  	s0 =	rddreg [dreg:$0x7];
	[sflag:s28] =	ssyncadd.s32 $0xFFFFC000  }
0x46: {  	[spmem:s0] =	stream.linear.scatter [tilespmem:s26], [sflag:$0x7], $0x3800, $0x38;
	[tilespmem:$0x1E100] =	vst v63  }
0x47: {  	_ =	swait.ge [sflag:s28], $0x3800  }
0x48: {  	[sflag:s28] =	ssyncset.done $0x0  }
0x49: {  	s0 =	simm.s32 @!p0 $0x13980;
	[sflag:s28] =	ssyncadd.s32 $0xFFFFC800  }
0x4a: {  	[spmem:s9] =	stream.linear.scatter @!p0 [tilespmem:s0], [sflag:$0x7], $0x800, $0x38;
	[tilespmem:$0x1E100] =	vst v63  }
0x4b: {  	s0 =	simm.s32 @!p0 $0x7  }
0x4c: {  	_ =	swait.ge @!p0 [sflag:s0], $0x800  }
0x4d: {  	[sflag:s0] =	ssyncset.done @!p0 $0x0  }
0x4e: {  	s30 =	simm.s32 $0x13880;
	[sflag:s0] =	ssyncadd.s32 @!p0 $0xFFFFF800  }
0x4f: {  	[tilespmem:s30], [sflag:$0x1] =	stream.linear.gather [hbm4b:s10+s3], $0x80, $0x38;
	[tilespmem:$0x1E100] =	vst v63  }
0x50: {  	s23 =	smov.u32 s1;
	s22 =	smov.u32 s24;
	s21 =	smov.u32 s25  }
0x51: {  	[tilespmem:s26], [sflag:$0x3] =	stream.linear.gather [hbm4b:s11+s3], $0x4000, $0x38;
	[tilespmem:$0x1E100] =	vst v63  }
0x52: {  	s20 =	smov.u32 s29;
	s0 =	simm.s32 $0x3;
	[bflag:$0x0] =	sbarrier.arrive $0xFFFF  }
.LBB2_6:
0x53: {  	s30 =	sadd.s32 $0xFFFFFFFD, s0  }
0x54: {  	p1 =	sge.u32 s30, s4  }
0x55: {  	s5 =	simm.s32 @!p1 $0x1  }
0x56: {  	_ =	swait.ge @!p1 [sflag:s5], $0x80  }
0x57: {  	[sflag:s5] =	ssyncset.done @!p1 $0x0  }
0x58: {  	[sflag:s5] =	ssyncadd.s32 @!p1 $0xFFFFFF80;
	s5 =	simm.s32 @!p1 $0x3  }
0x59: {  	_ =	swait.ge @!p1 [sflag:s5], $0x4000  }
0x5a: {  	s7 =	simm.s32 @!p1 $0x13880;
	[sflag:s5] =	ssyncset.done @!p1 $0x0  }
0x5b: {  	s8 =	simm.s32 @!p1 $0x13980;
	[sflag:s5] =	ssyncadd.s32 @!p1 $0xFFFFC000;
	s5 =	simm.s32 @!p1 $0x80  }
0x5c: {  	[spmem:s2] =	stream.indirect.scatter.add.f32 @!p1 [tilespmem:s8], [sflag:$0x5], $0x80, s7, s5, $0xb8;
	[tilespmem:$0x1E100] =	vst v63  }
0x5d: {  	v1 =	vld @!p1 [tilespmem:$0x13880];
	_ =	sdelay $0x6  }
0x5e: {  	v2 =	vimm.f32 @!p1 $1.000000000e+00;
	s5 =	simm.s32 @!p1 $0x1B980  }
0x5f: {  	[tilespmem:v1+s5+$0x0] =	vst.idx.add.f32.msk @!p1 $0xffff, v2  }
0x60: {  	v1 =	vld @!p1 [tilespmem:$0x13890];
	_ =	sdelay $0x7  }
0x61: {  	[tilespmem:v1+s5+$0x0] =	vst.idx.add.f32.msk @!p1 $0xffff, v2  }
0x62: {  	v1 =	vld @!p1 [tilespmem:$0x138A0];
	_ =	sdelay $0x7  }
0x63: {  	[tilespmem:v1+s5+$0x0] =	vst.idx.add.f32.msk @!p1 $0xffff, v2  }
0x64: {  	v1 =	vld @!p1 [tilespmem:$0x138B0];
	_ =	sdelay $0x7  }
0x65: {  	[tilespmem:v1+s5+$0x0] =	vst.idx.add.f32.msk @!p1 $0xffff, v2  }
0x66: {  	v1 =	vld @!p1 [tilespmem:$0x138C0];
	_ =	sdelay $0x7  }
0x67: {  	[tilespmem:v1+s5+$0x0] =	vst.idx.add.f32.msk @!p1 $0xffff, v2  }
0x68: {  	v1 =	vld @!p1 [tilespmem:$0x138D0];
	_ =	sdelay $0x7  }
0x69: {  	[tilespmem:v1+s5+$0x0] =	vst.idx.add.f32.msk @!p1 $0xffff, v2  }
0x6a: {  	v1 =	vld @!p1 [tilespmem:$0x138E0];
	_ =	sdelay $0x7  }
0x6b: {  	[tilespmem:v1+s5+$0x0] =	vst.idx.add.f32.msk @!p1 $0xffff, v2  }
0x6c: {  	v1 =	vld @!p1 [tilespmem:$0x138F0];
	_ =	sdelay $0x7  }
0x6d: {  	s7 =	sadd.s32 @!p1 $0xFFFFFFFF, s0;
	[tilespmem:v1+s5+$0x0] =	vst.idx.add.f32.msk @!p1 $0xffff, v2;
	s5 =	simm.s32 @!p1 $0x5  }
0x6e: {  	p2 =	sge.u32 @!p1 s7, s4;
	_ =	swait.ge @!p1 [sflag:s5], $0x4000  }
0x6f: {  	p2 =	por p2, p1;
	[sflag:s5] =	ssyncset.done @!p1 $0x0  }
0x70: {  	s7 =	simm.s32 @!p2 $0x13880;
	[sflag:s5] =	ssyncadd.s32 @!p1 $0xFFFFC000;
	s5 =	simm.s32 @!p2 $0x0  }
0x71: {  	[tilespmem:s7], [sflag:$0x1] =	stream.linear.gather @!p2 [hbm4b:s23+s5], $0x80, $0x38;
	[tilespmem:$0x1E100] =	vst v63  }
0x72: {  	p1 =	sge.u32 s30, s12;
	s7 =	simm.s32 @!p2 $0x13980  }
0x73: {  	[tilespmem:s7], [sflag:$0x3] =	stream.linear.gather @!p2 [hbm4b:s22+s5], $0x4000, $0x38;
	[tilespmem:$0x1E100] =	vst v63  }
0x74: {  	s5 =	simm.s32 @!p1 $0x2  }
0x75: {  	_ =	swait.ge @!p1 [sflag:s5], $0x80  }
0x76: {  	[sflag:s5] =	ssyncset.done @!p1 $0x0  }
0x77: {  	[sflag:s5] =	ssyncadd.s32 @!p1 $0xFFFFFF80;
	s5 =	simm.s32 @!p1 $0x4  }
0x78: {  	_ =	swait.ge @!p1 [sflag:s5], $0x4000  }
0x79: {  	s8 =	simm.s32 @!p1 $0x17980;
	[sflag:s5] =	ssyncset.done @!p1 $0x0  }
0x7a: {  	s7 =	simm.s32 @!p1 $0x13900;
	[sflag:s5] =	ssyncadd.s32 @!p1 $0xFFFFC000;
	s5 =	simm.s32 @!p1 $0x80  }
0x7b: {  	[spmem:s2] =	stream.indirect.scatter.add.f32 @!p1 [tilespmem:s8], [sflag:$0x6], $0x80, s7, s5, $0xb8;
	[tilespmem:$0x1E100] =	vst v63  }
0x7c: {  	v1 =	vld @!p1 [tilespmem:$0x13900];
	_ =	sdelay $0x6  }
0x7d: {  	v2 =	vimm.f32 @!p1 $1.000000000e+00;
	s5 =	simm.s32 @!p1 $0x1B980  }
0x7e: {  	[tilespmem:v1+s5+$0x0] =	vst.idx.add.f32.msk @!p1 $0xffff, v2  }
0x7f: {  	v1 =	vld @!p1 [tilespmem:$0x13910];
	_ =	sdelay $0x7  }
0x80: {  	[tilespmem:v1+s5+$0x0] =	vst.idx.add.f32.msk @!p1 $0xffff, v2  }
0x81: {  	v1 =	vld @!p1 [tilespmem:$0x13920];
	_ =	sdelay $0x7  }
0x82: {  	[tilespmem:v1+s5+$0x0] =	vst.idx.add.f32.msk @!p1 $0xffff, v2  }
0x83: {  	v1 =	vld @!p1 [tilespmem:$0x13930];
	_ =	sdelay $0x7  }
0x84: {  	[tilespmem:v1+s5+$0x0] =	vst.idx.add.f32.msk @!p1 $0xffff, v2  }
0x85: {  	v1 =	vld @!p1 [tilespmem:$0x13940];
	_ =	sdelay $0x7  }
0x86: {  	[tilespmem:v1+s5+$0x0] =	vst.idx.add.f32.msk @!p1 $0xffff, v2  }
0x87: {  	v1 =	vld @!p1 [tilespmem:$0x13950];
	_ =	sdelay $0x7  }
0x88: {  	[tilespmem:v1+s5+$0x0] =	vst.idx.add.f32.msk @!p1 $0xffff, v2  }
0x89: {  	v1 =	vld @!p1 [tilespmem:$0x13960];
	_ =	sdelay $0x7  }
0x8a: {  	[tilespmem:v1+s5+$0x0] =	vst.idx.add.f32.msk @!p1 $0xffff, v2  }
0x8b: {  	v1 =	vld @!p1 [tilespmem:$0x13970];
	_ =	sdelay $0x7  }
0x8c: {  	[tilespmem:v1+s5+$0x0] =	vst.idx.add.f32.msk @!p1 $0xffff, v2;
	s5 =	simm.s32 @!p1 $0x6  }
0x8d: {  	_ =	swait.ge @!p1 [sflag:s5], $0x4000  }
0x8e: {  	p2 =	sge.u32 @!p1 s0, s4;
	s0 =	sadd.s32 $0x2, s0;
	[sflag:s5] =	ssyncset.done @!p1 $0x0  }
0x8f: {  	p2 =	por p2, p1;
	[sflag:s5] =	ssyncadd.s32 @!p1 $0xFFFFC000;
	p1 =	sne.s32 s0, $0x53  }
.Ltmp2:
0x90: {  	s7 =	simm.s32 @!p2 $0x13900;
	s5 =	simm.s32 @!p2 $0x0;
	(pc) =	sbr.rel @p1 .LBB2_6-.Ltmp2, $4  }
0x91: {  	[tilespmem:s7], [sflag:$0x2] =	stream.linear.gather @!p2 [hbm4b:s21+s5], $0x80, $0x38;
	[tilespmem:$0x1E100] =	vst v63  }
0x92: {  	s23 =	sadd.s32 $0x20, s23;
	s7 =	simm.s32 @!p2 $0x17980  }
0x93: {  	[tilespmem:s7], [sflag:$0x4] =	stream.linear.gather @!p2 [hbm4b:s20+s5], $0x4000, $0x38;
	[tilespmem:$0x1E100] =	vst v63  }
0x94: {  	s22 =	sadd.s32 $0x1000, s22;
	s21 =	sadd.s32 $0x20, s21;
	s20 =	sadd.s32 $0x1000, s20  }
0x95: {  	s0 =	stileid.u32  }
0x96: {  	s0 =	sshll.u32 s0, $0x6  }
0x97: {  	[bflag:$0x0] =	sbarrier.arrive $0xFFFF;
	s5 =	sshrl.u32 s6, $0x3;
	s0 =	sor.u32 $0x1C07, s0  }
0x98: {  	[hbm:s13], [sflag:s0] =	dma.local [spmem:s5], $0x2700  }
0x99: {  	_ =	swait.ge [sflag:s28], $0x2700  }
0x9a: {  	[sflag:s28] =	ssyncset.done $0x0  }
0x9b: {  	s5 =	sshrl.u32 @!p0 s9, $0x3;
	[sflag:s28] =	ssyncadd.s32 $0xFFFFD900  }
0x9c: {  	[hbm:s14], [sflag:s0] =	dma.local @!p0 [spmem:s5], $0x100  }
0x9d: {  	s0 =	simm.s32 @!p0 $0x7  }
0x9e: {  	s31 =	sadd.s32 $0x1, s31;
	_ =	swait.ge @!p0 [sflag:s0], $0x100  }
0x9f: {  	p1 =	sne.s32 s31, s16;
	[sflag:s0] =	ssyncset.done @!p0 $0x0  }
.Ltmp3:
0xa0: {  	s30 =	simm.s32 $0x1B980;
	[sflag:s0] =	ssyncadd.s32 @!p0 $0xFFFFFF00;
	(pc) =	sbr.rel @p1 .LBB2_1-.Ltmp3, $4  }
0xa1: {  	[hbm4b:s15+s3] =	stream.linear.scatter [tilespmem:s30], [sflag:$0x7], $0x2780, $0x38;
	[tilespmem:$0x1E100] =	vst v63  }
0xa2: {  	_ =	swait.ge [sflag:s28], $0x2780  }
0xa3: {  	[sflag:s28] =	ssyncset.done $0x0  }
0xa4: {  	[sflag:s28] =	ssyncadd.s32 $0xFFFFD880  }
0xa5: {  	_ =	sfence.sel $0x180000  }
0xa6: {  	[bflag:$0x0] =	sbarrier.arrive $0xFFFF  }
0xa7: {  	_ =	strace $0x90000047  }
0xa8: {  	s0 =	stileid.u32;
	[bflag:$0x2] =	sbarrier.arrive $0xFFFF  }
0xa9: {  	p0 =	sne.s32 s0, $0x0;
	s0 =	rddreg [dreg:$0x4]  }
0xaa: {  	s0 =	sadd.s32 @!p0 $0x100000, s0  }
0xab: {  	[sflag:s0] =	ssyncadd.tile.s32 @!p0 $0x1;
	_ =	shalt  }
.Lfunc_end2:
_tile_overlayer_lowered:
.L_overlay_start_2:
0xac: {  	(tag) =	ssettag $0x2  }
0xad: {  	s0 =	rddreg [dreg:$0x0];
	s2 =	stileid.u32  }
0xae: {  	s1 =	rddreg [dreg:$0x1];
	p0 =	sne.s32 s2, $0x0  }
0xaf: {  	s3 =	rddreg [dreg:$0x2];
	[bflag:$0x3] =	sbarrier.arrive $0xFFFF;
	s2 =	simm.s32 @!p0 $0x1C07  }
0xb0: {  	[timem:s3], [sflag:s2] =	dma.local @!p0 [hbm:s0], s1  }
0xb1: {  	s0 =	simm.s32 @!p0 $0x7  }
0xb2: {  	_ =	swait.ge @!p0 [sflag:s0], s1  }
0xb3: {  	s1 =	ssub.s32 @!p0 $0x0, s1;
	[sflag:s0] =	ssyncset.done @!p0 $0x0  }
0xb4: {  	[sflag:s0] =	ssyncadd.s32 @!p0 s1  }
0xb5: {  	[bflag:$0x3] =	sbarrier.arrive $0xFFFF  }
0xb6: {  	_ =	shalt  }

</sc_bundles>
